<compile_context>
chip_gen: v7x
topology: tpu7x:2x2x1
jax: 0.10.2.dev20260603
libtpu: 0.0.44.dev20260713+nightly
codegen_flags: <defaults>
</compile_context>

<pallas_src>
import functools

import jax
import jax.numpy as jnp
from jax import lax
from jax.experimental import pallas as pl
from jax.experimental.pallas import tpu as pltpu
from jax.experimental.pallas import tpu_sc as plsc

_NC = 2
_NS = 16
_NW = _NC * _NS
_K = 80
_L = 16
_TRASH = 64


_NB = 2


def _sc_body(n_chunks, half, rpt, src_hbm, dst_hbm, x_hbm, zeros_hbm,
             out_hbm, acc0, acc1, sall, dall, idx0s, idx1s, rows, gsems,
             ssems):
    c = lax.axis_index("c")
    s = lax.axis_index("s")
    wid = s * _NC + c
    ept = n_chunks * _K
    base = wid * ept

    pltpu.sync_copy(src_hbm.at[pl.ds(base, ept)], sall)
    pltpu.sync_copy(dst_hbm.at[pl.ds(base, ept)], dall)

    row0 = s * rpt
    pltpu.sync_copy(zeros_hbm.at[pl.ds(row0, rpt)], acc0.at[pl.ds(row0, rpt)])
    pltpu.sync_copy(zeros_hbm.at[pl.ds(row0, rpt)], acc1.at[pl.ds(row0, rpt)])
    plsc.subcore_barrier()

    def fire_gather(ch, rows, gsem):
        off = jnp.minimum(ch, n_chunks - 1) * _K
        pltpu.async_copy(x_hbm.at[sall.at[pl.ds(off, _K)]], rows, gsem)

    def wait_gather(rows, gsem):
        pltpu.make_async_copy(x_hbm.at[pl.ds(0, _K)], rows, gsem).wait()

    def compute_idx(ch, idx0, idx1):
        valid = jnp.where(ch < n_chunks, 1, 0).astype(jnp.int32)
        off = jnp.minimum(ch, n_chunks - 1) * _K
        for g in range(_K // _L):
            tr = jax.lax.iota(jnp.int32, _L) + (g % 4) * _L
            dv = dall[pl.ds(off + g * _L, _L)]
            lo = dv < half
            idx0[pl.ds(g * _L, _L)] = jnp.where(lo, dv + _TRASH, tr) * valid
            idx1[pl.ds(g * _L, _L)] = jnp.where(lo, tr, dv - half + _TRASH) * valid

    def fire_scatter(rows, idx0, idx1, ssem):
        pltpu.async_copy(rows, acc0.at[idx0], ssem, add=True)
        pltpu.async_copy(rows, acc1.at[idx1], ssem, add=True)

    def wait_scatters(rows, ssem):
        pltpu.make_async_copy(x_hbm.at[pl.ds(0, _K)], rows, ssem).wait()
        pltpu.make_async_copy(x_hbm.at[pl.ds(0, _K)], rows, ssem).wait()

    for j in range(_NB):
        fire_gather(j, rows[j], gsems[j])

    def quad(o, _):
        c0 = _NB * o
        for j in range(_NB):
            compute_idx(c0 + j, idx0s[j], idx1s[j])
        for j in range(_NB):
            wait_gather(rows[j], gsems[j])
            fire_scatter(rows[j], idx0s[j], idx1s[j], ssems[j])
        for j in range(_NB):
            wait_scatters(rows[j], ssems[j])
            fire_gather(c0 + _NB + j, rows[j], gsems[j])
        return 0

    n_groups = -(-n_chunks // _NB)
    lax.fori_loop(0, n_groups, quad, 0)
    for j in range(_NB):
        wait_gather(rows[j], gsems[j])

    plsc.subcore_barrier()
    wpt = half // _NS
    wrow = s * wpt
    pltpu.sync_copy(acc0.at[pl.ds(_TRASH + wrow, wpt)],
                    out_hbm.at[c, pl.ds(wrow, wpt)])
    pltpu.sync_copy(acc1.at[pl.ds(_TRASH + wrow, wpt)],
                    out_hbm.at[c, pl.ds(half + wrow, wpt)])


def _tc_linear_body(a_ref, w_ref, b_ref, o_ref):
    acc = a_ref[0] + a_ref[1]
    o_ref[...] = lax.dot_general(
        acc, w_ref[...], (((1,), (1,)), ((), ())),
        preferred_element_type=jnp.float32) + b_ref[...]


def kernel(x, edge_index, W, b):
    n, d = x.shape
    e = edge_index.shape[1]
    c_out = W.shape[0]
    assert e % (_NW * _K) == 0
    n_chunks = e // (_NW * _K)
    half = -(-n // (2 * _NS * 8)) * (_NS * 8)
    n_pad = 2 * half
    rpt = -(-(half + _TRASH) // (_NS * 8)) * 8
    acc_rows = rpt * _NS
    ept = n_chunks * _K

    src = edge_index[0]
    dst = edge_index[1]
    zeros = jnp.zeros((acc_rows, d), jnp.float32)

    sc_agg = pl.kernel(
        functools.partial(_sc_body, n_chunks, half, rpt),
        out_type=jax.ShapeDtypeStruct((_NC, n_pad, d), jnp.float32),
        mesh=plsc.VectorSubcoreMesh(core_axis_name="c", subcore_axis_name="s"),
        scratch_types=[
            pltpu.VMEM_SHARED((acc_rows, d), jnp.float32),
            pltpu.VMEM_SHARED((acc_rows, d), jnp.float32),
            pltpu.VMEM((ept,), jnp.int32),
            pltpu.VMEM((ept,), jnp.int32),
            [pltpu.VMEM((_K,), jnp.int32) for _ in range(_NB)],
            [pltpu.VMEM((_K,), jnp.int32) for _ in range(_NB)],
            [pltpu.VMEM((_K, d), jnp.float32) for _ in range(_NB)],
            [pltpu.SemaphoreType.DMA for _ in range(_NB)],
            [pltpu.SemaphoreType.DMA for _ in range(_NB)],
        ],
    )
    agg2 = sc_agg(src, dst, x, zeros)

    bn = 2048
    out = pl.pallas_call(
        _tc_linear_body,
        grid=(n_pad // bn,),
        in_specs=[
            pl.BlockSpec((_NC, bn, d), lambda i: (0, i, 0)),
            pl.BlockSpec((c_out, d), lambda i: (0, 0)),
            pl.BlockSpec((1, c_out), lambda i: (0, 0)),
        ],
        out_specs=pl.BlockSpec((bn, c_out), lambda i: (i, 0)),
        out_shape=jax.ShapeDtypeStruct((n_pad, c_out), jnp.float32),
    )(agg2, W, b.reshape(1, c_out))
    return out[:n]

# --- scband reference (transcript-rebuilt; emitter-appended) ---
"""Pipeline reference for scband-lazy-unite-8632884265500 (READ-ONLY COPY).

The authoritative reference and input builder live on the scoring server;
editing this copy changes nothing except your own understanding.
"""

import jax, jax.numpy as jnp
import numpy as np

N = 10000   # n_nodes
E = 320000  # n_edges (avg_degree=32)
D = 128     # in channels (d_feat)
C = 128     # channels_out


def setup_inputs(seed: int = 0) -> dict:
    key = jax.random.key(seed)
    k1, k2, k3 = jax.random.split(key, 3)
    x = jax.random.normal(k1, (N, D), dtype=jnp.float32)
    edge_index = jax.random.randint(k2, (2, E), 0, N, dtype=jnp.int32)
    # LazyLinear materializes W[C, D] with xavier_uniform and zero bias
    limit = float(np.sqrt(6.0 / (D + C)))
    W = jax.random.uniform(k3, (C, D), minval=-limit, maxval=limit, dtype=jnp.float32)
    b = jnp.zeros((C,), dtype=jnp.float32)
    return {"x": x, "edge_index": edge_index, "W": W, "b": b}


def reference(x, edge_index, W, b):
    # Unite layer (ptensors0 -> ptensors1, reduction_type='sum'):
    # each destination domain gathers overlapping source node features and
    # sum-reduces them, followed by the (lazily initialized) linear map.
    src = edge_index[0]
    dst = edge_index[1]
    msgs = jnp.take(x, src, axis=0)                                  # gather  [E, D]
    agg = jnp.zeros((x.shape[0], x.shape[1]), dtype=x.dtype)
    agg = agg.at[dst].add(msgs)                                      # scatter-add [N, D]
    out = agg @ W.T + b                                              # LazyLinear [N, C]
    return out

if __name__ == "__main__":
    import jax
    _d = setup_inputs()
    print(jax.jit(kernel)(*tuple(_d.values())))

</pallas_src>

<mosaic_0001>
#map = affine_map<(d0, d1) -> (0)>
#map1 = affine_map<(d0, d1) -> (0, 0)>
#map2 = affine_map<(d0, d1) -> (0, 0, 0)>
module attributes {stable_mosaic.version = 14 : i64} {
  func.func @_sc_body(%arg0: i32, %arg1: i32, %arg2: memref<320000xi32, #tpu.memory_space<hbm>>, %arg3: memref<320000xi32, #tpu.memory_space<hbm>>, %arg4: memref<10000x128xf32, #tpu.memory_space<hbm>>, %arg5: memref<5248x128xf32, #tpu.memory_space<hbm>>, %arg6: memref<2x10240x128xf32, #tpu.memory_space<hbm>>, %arg7: memref<5248x128xf32, #tpu.memory_space<vmem_shared>>, %arg8: memref<5248x128xf32, #tpu.memory_space<vmem_shared>>, %arg9: memref<10000xi32, #tpu.memory_space<vmem>>, %arg10: memref<10000xi32, #tpu.memory_space<vmem>>, %arg11: memref<80xi32, #tpu.memory_space<vmem>>, %arg12: memref<80xi32, #tpu.memory_space<vmem>>, %arg13: memref<80xi32, #tpu.memory_space<vmem>>, %arg14: memref<80xi32, #tpu.memory_space<vmem>>, %arg15: memref<80x128xf32, #tpu.memory_space<vmem>>, %arg16: memref<80x128xf32, #tpu.memory_space<vmem>>, %arg17: memref<!tpu.dma_semaphore, #tpu.memory_space<semaphore_mem>>, %arg18: memref<!tpu.dma_semaphore, #tpu.memory_space<semaphore_mem>>, %arg19: memref<!tpu.dma_semaphore, #tpu.memory_space<semaphore_mem>>, %arg20: memref<!tpu.dma_semaphore, #tpu.memory_space<semaphore_mem>>) attributes {dimension_semantics = [#tpu.dimension_semantics<core_parallel>, #tpu.dimension_semantics<subcore_parallel>], iteration_bounds = array<i64: 2, 16>, scalar_prefetch = 0 : i64, scratch_operands = 14 : i64, tpu.core_type = #tpu.core_type<sc_vector_subcore>, window_params = [{transform_indices = #map}, {transform_indices = #map}, {transform_indices = #map1}, {transform_indices = #map1}, {transform_indices = #map2}]} {
    %mul3A = arith.constant 2 : i32
    %mul3A_0 = arith.muli %arg1, %mul3A : i32
    %add3A = arith.addi %mul3A_0, %arg0 : i32
    %mul3A_1 = arith.constant 10000 : i32
    %mul3A_2 = arith.muli %add3A, %mul3A_1 : i32
    "tpu.region"() ({
      %run_scoped3A = tpu.sem_alloc : memref<!tpu.dma_semaphore, #tpu.memory_space<semaphore_mem>>
      %dma_start3A_47 = tpu.memref_slice %arg2[%mul3A_2] : memref<320000xi32, #tpu.memory_space<hbm>> -> memref<10000xi32, #tpu.memory_space<hbm>>
      %dma_start3A_48 = tpu.memref_slice %arg2[%mul3A_2] : memref<320000xi32, #tpu.memory_space<hbm>> -> memref<10000xi32, #tpu.memory_space<hbm>>
      tpu.enqueue_dma source(%dma_start3A_48 : memref<10000xi32, #tpu.memory_space<hbm>>) target(%arg9 : memref<10000xi32, #tpu.memory_space<vmem>>) target_semaphore(%run_scoped3A : memref<!tpu.dma_semaphore, #tpu.memory_space<semaphore_mem>>)
      %dma_wait3A_49 = tpu.memref_slice %arg2[%mul3A_2] : memref<320000xi32, #tpu.memory_space<hbm>> -> memref<10000xi32, #tpu.memory_space<hbm>>
      %dma_wait3A_50 = tpu.memref_slice %arg2[%mul3A_2] : memref<320000xi32, #tpu.memory_space<hbm>> -> memref<10000xi32, #tpu.memory_space<hbm>>
      tpu.wait_dma2 semaphore(%run_scoped3A : memref<!tpu.dma_semaphore, #tpu.memory_space<semaphore_mem>>) src(%dma_wait3A_50 : memref<10000xi32, #tpu.memory_space<hbm>>) dst(%arg9 : memref<10000xi32, #tpu.memory_space<vmem>>)
      tpu.yield
    }) : () -> ()
    "tpu.region"() ({
      %run_scoped3A = tpu.sem_alloc : memref<!tpu.dma_semaphore, #tpu.memory_space<semaphore_mem>>
      %dma_start3A_47 = tpu.memref_slice %arg3[%mul3A_2] : memref<320000xi32, #tpu.memory_space<hbm>> -> memref<10000xi32, #tpu.memory_space<hbm>>
      %dma_start3A_48 = tpu.memref_slice %arg3[%mul3A_2] : memref<320000xi32, #tpu.memory_space<hbm>> -> memref<10000xi32, #tpu.memory_space<hbm>>
      tpu.enqueue_dma source(%dma_start3A_48 : memref<10000xi32, #tpu.memory_space<hbm>>) target(%arg10 : memref<10000xi32, #tpu.memory_space<vmem>>) target_semaphore(%run_scoped3A : memref<!tpu.dma_semaphore, #tpu.memory_space<semaphore_mem>>)
      %dma_wait3A_49 = tpu.memref_slice %arg3[%mul3A_2] : memref<320000xi32, #tpu.memory_space<hbm>> -> memref<10000xi32, #tpu.memory_space<hbm>>
      %dma_wait3A_50 = tpu.memref_slice %arg3[%mul3A_2] : memref<320000xi32, #tpu.memory_space<hbm>> -> memref<10000xi32, #tpu.memory_space<hbm>>
      tpu.wait_dma2 semaphore(%run_scoped3A : memref<!tpu.dma_semaphore, #tpu.memory_space<semaphore_mem>>) src(%dma_wait3A_50 : memref<10000xi32, #tpu.memory_space<hbm>>) dst(%arg10 : memref<10000xi32, #tpu.memory_space<vmem>>)
      tpu.yield
    }) : () -> ()
    %mul3A_3 = arith.constant 328 : i32
    %mul3A_4 = arith.muli %arg1, %mul3A_3 : i32
    "tpu.region"() ({
      %run_scoped3A = tpu.sem_alloc : memref<!tpu.dma_semaphore, #tpu.memory_space<semaphore_mem>>
      %dma_start3A_47 = arith.constant 0 : i32
      %dma_start3A_48 = tpu.memref_slice %arg7[%mul3A_4, %dma_start3A_47] : memref<5248x128xf32, #tpu.memory_space<vmem_shared>> -> memref<328x128xf32, #tpu.memory_space<vmem_shared>>
      %dma_start3A_49 = arith.constant 0 : i32
      %dma_start3A_50 = tpu.memref_slice %arg5[%mul3A_4, %dma_start3A_49] : memref<5248x128xf32, #tpu.memory_space<hbm>> -> memref<328x128xf32, #tpu.memory_space<hbm>>
      tpu.enqueue_dma source(%dma_start3A_50 : memref<328x128xf32, #tpu.memory_space<hbm>>) target(%dma_start3A_48 : memref<328x128xf32, #tpu.memory_space<vmem_shared>>) target_semaphore(%run_scoped3A : memref<!tpu.dma_semaphore, #tpu.memory_space<semaphore_mem>>)
      %dma_wait3A_51 = arith.constant 0 : i32
      %dma_wait3A_52 = tpu.memref_slice %arg7[%mul3A_4, %dma_wait3A_51] : memref<5248x128xf32, #tpu.memory_space<vmem_shared>> -> memref<328x128xf32, #tpu.memory_space<vmem_shared>>
      %dma_wait3A_53 = arith.constant 0 : i32
      %dma_wait3A_54 = tpu.memref_slice %arg5[%mul3A_4, %dma_wait3A_53] : memref<5248x128xf32, #tpu.memory_space<hbm>> -> memref<328x128xf32, #tpu.memory_space<hbm>>
      tpu.wait_dma2 semaphore(%run_scoped3A : memref<!tpu.dma_semaphore, #tpu.memory_space<semaphore_mem>>) src(%dma_wait3A_54 : memref<328x128xf32, #tpu.memory_space<hbm>>) dst(%dma_wait3A_52 : memref<328x128xf32, #tpu.memory_space<vmem_shared>>)
      tpu.yield
    }) : () -> ()
    "tpu.region"() ({
      %run_scoped3A = tpu.sem_alloc : memref<!tpu.dma_semaphore, #tpu.memory_space<semaphore_mem>>
      %dma_start3A_47 = arith.constant 0 : i32
      %dma_start3A_48 = tpu.memref_slice %arg8[%mul3A_4, %dma_start3A_47] : memref<5248x128xf32, #tpu.memory_space<vmem_shared>> -> memref<328x128xf32, #tpu.memory_space<vmem_shared>>
      %dma_start3A_49 = arith.constant 0 : i32
      %dma_start3A_50 = tpu.memref_slice %arg5[%mul3A_4, %dma_start3A_49] : memref<5248x128xf32, #tpu.memory_space<hbm>> -> memref<328x128xf32, #tpu.memory_space<hbm>>
      tpu.enqueue_dma source(%dma_start3A_50 : memref<328x128xf32, #tpu.memory_space<hbm>>) target(%dma_start3A_48 : memref<328x128xf32, #tpu.memory_space<vmem_shared>>) target_semaphore(%run_scoped3A : memref<!tpu.dma_semaphore, #tpu.memory_space<semaphore_mem>>)
      %dma_wait3A_51 = arith.constant 0 : i32
      %dma_wait3A_52 = tpu.memref_slice %arg8[%mul3A_4, %dma_wait3A_51] : memref<5248x128xf32, #tpu.memory_space<vmem_shared>> -> memref<328x128xf32, #tpu.memory_space<vmem_shared>>
      %dma_wait3A_53 = arith.constant 0 : i32
      %dma_wait3A_54 = tpu.memref_slice %arg5[%mul3A_4, %dma_wait3A_53] : memref<5248x128xf32, #tpu.memory_space<hbm>> -> memref<328x128xf32, #tpu.memory_space<hbm>>
      tpu.wait_dma2 semaphore(%run_scoped3A : memref<!tpu.dma_semaphore, #tpu.memory_space<semaphore_mem>>) src(%dma_wait3A_54 : memref<328x128xf32, #tpu.memory_space<hbm>>) dst(%dma_wait3A_52 : memref<328x128xf32, #tpu.memory_space<vmem_shared>>)
      tpu.yield
    }) : () -> ()
    %barrier3A = arith.constant 0 : index
    tpu.barrier barrier_id(%barrier3A)
    %min3A = arith.constant 0 : i32
    %min3A_5 = arith.constant 124 : i32
    %min3A_6 = arith.minsi %min3A, %min3A_5 : i32
    %mul3A_7 = arith.constant 80 : i32
    %mul3A_8 = arith.muli %min3A_6, %mul3A_7 : i32
    %dma_start3A = tpu.memref_slice %arg9[%mul3A_8] : memref<10000xi32, #tpu.memory_space<vmem>> -> memref<80xi32, #tpu.memory_space<vmem>>
    %dma_start3A_9 = arith.constant 0 : i32
    %dma_start3A_10 = arith.constant 0 : i32
    %dma_start3A_11 = tpu.memref_slice %arg4[%dma_start3A_9, %dma_start3A_10] : memref<10000x128xf32, #tpu.memory_space<hbm>> -> memref<10000x128xf32, #tpu.memory_space<hbm>>
    tpu.enqueue_indirect_dma source(%dma_start3A_11 : memref<10000x128xf32, #tpu.memory_space<hbm>>) target(%arg15 : memref<80x128xf32, #tpu.memory_space<vmem>>) offsets(%dma_start3A : memref<80xi32, #tpu.memory_space<vmem>>) semaphore(%arg17 : memref<!tpu.dma_semaphore, #tpu.memory_space<semaphore_mem>>)
    %min3A_12 = arith.constant 1 : i32
    %min3A_13 = arith.constant 124 : i32
    %min3A_14 = arith.minsi %min3A_12, %min3A_13 : i32
    %mul3A_15 = arith.constant 80 : i32
    %mul3A_16 = arith.muli %min3A_14, %mul3A_15 : i32
    %dma_start3A_17 = tpu.memref_slice %arg9[%mul3A_16] : memref<10000xi32, #tpu.memory_space<vmem>> -> memref<80xi32, #tpu.memory_space<vmem>>
    %dma_start3A_18 = arith.constant 0 : i32
    %dma_start3A_19 = arith.constant 0 : i32
    %dma_start3A_20 = tpu.memref_slice %arg4[%dma_start3A_18, %dma_start3A_19] : memref<10000x128xf32, #tpu.memory_space<hbm>> -> memref<10000x128xf32, #tpu.memory_space<hbm>>
    tpu.enqueue_indirect_dma source(%dma_start3A_20 : memref<10000x128xf32, #tpu.memory_space<hbm>>) target(%arg16 : memref<80x128xf32, #tpu.memory_space<vmem>>) offsets(%dma_start3A_17 : memref<80xi32, #tpu.memory_space<vmem>>) semaphore(%arg18 : memref<!tpu.dma_semaphore, #tpu.memory_space<semaphore_mem>>)
    %scan3A = arith.constant 0 : i32
    %scan3A_21 = arith.constant 0 : i32
    %scan3A_22 = arith.constant 63 : i32
    %scan3A_23 = arith.addi %scan3A_21, %scan3A_22 : i32
    %scan3A_24 = arith.constant 1 : i32
    %scan3A_25 = scf.for %scan3A_47 = %scan3A_21 to %scan3A_23 step %scan3A_24 iter_args(%scan3A_48 = %scan3A) -> (i32)  : i32 {
      %mul3A_49 = arith.constant 2 : i32
      %mul3A_50 = arith.muli %mul3A_49, %scan3A_47 : i32
      %add3A_51 = arith.constant 0 : i32
      %add3A_52 = arith.addi %mul3A_50, %add3A_51 : i32
      %lt3A = arith.constant 125 : i32
      %lt3A_53 = arith.cmpi slt, %add3A_52, %lt3A : i32
      %jit3A = arith.constant 1 : i32
      %jit3A_54 = arith.constant 0 : i32
      %select_n3A = arith.select %lt3A_53, %jit3A, %jit3A_54 : i32
      %min3A_55 = arith.constant 124 : i32
      %min3A_56 = arith.minsi %add3A_52, %min3A_55 : i32
      %mul3A_57 = arith.constant 80 : i32
      %mul3A_58 = arith.muli %min3A_56, %mul3A_57 : i32
      %iota3A = tpu.iota {dimensions = array<i32: 0>} : vector<16xi32>
      %add3A_59 = arith.constant 0 : i32
      %add3A_60 = vector.broadcast %add3A_59 : i32 to vector<16xi32>
      %add3A_61 = arith.addi %iota3A, %add3A_60 : vector<16xi32>
      %add3A_62 = arith.constant 0 : i32
      %add3A_63 = arith.addi %mul3A_58, %add3A_62 : i32
      %get3A = arith.index_cast %add3A_63 : i32 to index
      %get3A_64 = tpu.vector_load %arg10[%get3A] {strides = array<i32>} : memref<10000xi32, #tpu.memory_space<vmem>>, vector<16xi32>,
      %get3A_65 = vector.shape_cast %get3A_64 : vector<16xi32> to vector<16xi32>
      %lt3A_66 = arith.constant 5120 : i32
      %lt3A_67 = vector.broadcast %lt3A_66 : i32 to vector<16xi32>
      %lt3A_68 = arith.cmpi slt, %get3A_65, %lt3A_67 : vector<16xi32>
      %add3A_69 = arith.constant 64 : i32
      %add3A_70 = vector.broadcast %add3A_69 : i32 to vector<16xi32>
      %add3A_71 = arith.addi %get3A_65, %add3A_70 : vector<16xi32>
      %select_n3A_72 = arith.select %lt3A_68, %add3A_71, %add3A_61 : vector<16xi1>, vector<16xi32>
      %mul3A_73 = vector.broadcast %select_n3A : i32 to vector<16xi32>
      %mul3A_74 = arith.muli %select_n3A_72, %mul3A_73 : vector<16xi32>
      %swap3A = arith.constant 0 : index
      %swap3A_75 = tpu.vector_load %arg11[%swap3A] {strides = array<i32>} : memref<80xi32, #tpu.memory_space<vmem>>, vector<16xi32>,
      %swap3A_76 = vector.shape_cast %swap3A_75 : vector<16xi32> to vector<16xi32>
      %swap3A_77 = vector.shape_cast %mul3A_74 : vector<16xi32> to vector<16xi32>
      tpu.vector_store %arg11[%swap3A], %swap3A_77 {strides = array<i32>} : memref<80xi32, #tpu.memory_space<vmem>>, vector<16xi32>,
      %sub3A = arith.constant 5120 : i32
      %sub3A_78 = vector.broadcast %sub3A : i32 to vector<16xi32>
      %sub3A_79 = arith.subi %get3A_65, %sub3A_78 : vector<16xi32>
      %add3A_80 = arith.constant 64 : i32
      %add3A_81 = vector.broadcast %add3A_80 : i32 to vector<16xi32>
      %add3A_82 = arith.addi %sub3A_79, %add3A_81 : vector<16xi32>
      %select_n3A_83 = arith.select %lt3A_68, %add3A_61, %add3A_82 : vector<16xi1>, vector<16xi32>
      %mul3A_84 = vector.broadcast %select_n3A : i32 to vector<16xi32>
      %mul3A_85 = arith.muli %select_n3A_83, %mul3A_84 : vector<16xi32>
      %swap3A_86 = arith.constant 0 : index
      %swap3A_87 = tpu.vector_load %arg13[%swap3A_86] {strides = array<i32>} : memref<80xi32, #tpu.memory_space<vmem>>, vector<16xi32>,
      %swap3A_88 = vector.shape_cast %swap3A_87 : vector<16xi32> to vector<16xi32>
      %swap3A_89 = vector.shape_cast %mul3A_85 : vector<16xi32> to vector<16xi32>
      tpu.vector_store %arg13[%swap3A_86], %swap3A_89 {strides = array<i32>} : memref<80xi32, #tpu.memory_space<vmem>>, vector<16xi32>,
      %iota3A_90 = tpu.iota {dimensions = array<i32: 0>} : vector<16xi32>
      %add3A_91 = arith.constant 16 : i32
      %add3A_92 = vector.broadcast %add3A_91 : i32 to vector<16xi32>
      %add3A_93 = arith.addi %iota3A_90, %add3A_92 : vector<16xi32>
      %add3A_94 = arith.constant 16 : i32
      %add3A_95 = arith.addi %mul3A_58, %add3A_94 : i32
      %get3A_96 = arith.index_cast %add3A_95 : i32 to index
      %get3A_97 = tpu.vector_load %arg10[%get3A_96] {strides = array<i32>} : memref<10000xi32, #tpu.memory_space<vmem>>, vector<16xi32>,
      %get3A_98 = vector.shape_cast %get3A_97 : vector<16xi32> to vector<16xi32>
      %lt3A_99 = arith.constant 5120 : i32
      %lt3A_100 = vector.broadcast %lt3A_99 : i32 to vector<16xi32>
      %lt3A_101 = arith.cmpi slt, %get3A_98, %lt3A_100 : vector<16xi32>
      %add3A_102 = arith.constant 64 : i32
      %add3A_103 = vector.broadcast %add3A_102 : i32 to vector<16xi32>
      %add3A_104 = arith.addi %get3A_98, %add3A_103 : vector<16xi32>
      %select_n3A_105 = arith.select %lt3A_101, %add3A_104, %add3A_93 : vector<16xi1>, vector<16xi32>
      %mul3A_106 = vector.broadcast %select_n3A : i32 to vector<16xi32>
      %mul3A_107 = arith.muli %select_n3A_105, %mul3A_106 : vector<16xi32>
      %swap3A_108 = arith.constant 16 : index
      %swap3A_109 = tpu.vector_load %arg11[%swap3A_108] {strides = array<i32>} : memref<80xi32, #tpu.memory_space<vmem>>, vector<16xi32>,
      %swap3A_110 = vector.shape_cast %swap3A_109 : vector<16xi32> to vector<16xi32>
      %swap3A_111 = vector.shape_cast %mul3A_107 : vector<16xi32> to vector<16xi32>
      tpu.vector_store %arg11[%swap3A_108], %swap3A_111 {strides = array<i32>} : memref<80xi32, #tpu.memory_space<vmem>>, vector<16xi32>,
      %sub3A_112 = arith.constant 5120 : i32
      %sub3A_113 = vector.broadcast %sub3A_112 : i32 to vector<16xi32>
      %sub3A_114 = arith.subi %get3A_98, %sub3A_113 : vector<16xi32>
      %add3A_115 = arith.constant 64 : i32
      %add3A_116 = vector.broadcast %add3A_115 : i32 to vector<16xi32>
      %add3A_117 = arith.addi %sub3A_114, %add3A_116 : vector<16xi32>
      %select_n3A_118 = arith.select %lt3A_101, %add3A_93, %add3A_117 : vector<16xi1>, vector<16xi32>
      %mul3A_119 = vector.broadcast %select_n3A : i32 to vector<16xi32>
      %mul3A_120 = arith.muli %select_n3A_118, %mul3A_119 : vector<16xi32>
      %swap3A_121 = arith.constant 16 : index
      %swap3A_122 = tpu.vector_load %arg13[%swap3A_121] {strides = array<i32>} : memref<80xi32, #tpu.memory_space<vmem>>, vector<16xi32>,
      %swap3A_123 = vector.shape_cast %swap3A_122 : vector<16xi32> to vector<16xi32>
      %swap3A_124 = vector.shape_cast %mul3A_120 : vector<16xi32> to vector<16xi32>
      tpu.vector_store %arg13[%swap3A_121], %swap3A_124 {strides = array<i32>} : memref<80xi32, #tpu.memory_space<vmem>>, vector<16xi32>,
      %iota3A_125 = tpu.iota {dimensions = array<i32: 0>} : vector<16xi32>
      %add3A_126 = arith.constant 32 : i32
      %add3A_127 = vector.broadcast %add3A_126 : i32 to vector<16xi32>
      %add3A_128 = arith.addi %iota3A_125, %add3A_127 : vector<16xi32>
      %add3A_129 = arith.constant 32 : i32
      %add3A_130 = arith.addi %mul3A_58, %add3A_129 : i32
      %get3A_131 = arith.index_cast %add3A_130 : i32 to index
      %get3A_132 = tpu.vector_load %arg10[%get3A_131] {strides = array<i32>} : memref<10000xi32, #tpu.memory_space<vmem>>, vector<16xi32>,
      %get3A_133 = vector.shape_cast %get3A_132 : vector<16xi32> to vector<16xi32>
      %lt3A_134 = arith.constant 5120 : i32
      %lt3A_135 = vector.broadcast %lt3A_134 : i32 to vector<16xi32>
      %lt3A_136 = arith.cmpi slt, %get3A_133, %lt3A_135 : vector<16xi32>
      %add3A_137 = arith.constant 64 : i32
      %add3A_138 = vector.broadcast %add3A_137 : i32 to vector<16xi32>
      %add3A_139 = arith.addi %get3A_133, %add3A_138 : vector<16xi32>
      %select_n3A_140 = arith.select %lt3A_136, %add3A_139, %add3A_128 : vector<16xi1>, vector<16xi32>
      %mul3A_141 = vector.broadcast %select_n3A : i32 to vector<16xi32>
      %mul3A_142 = arith.muli %select_n3A_140, %mul3A_141 : vector<16xi32>
      %swap3A_143 = arith.constant 32 : index
      %swap3A_144 = tpu.vector_load %arg11[%swap3A_143] {strides = array<i32>} : memref<80xi32, #tpu.memory_space<vmem>>, vector<16xi32>,
      %swap3A_145 = vector.shape_cast %swap3A_144 : vector<16xi32> to vector<16xi32>
      %swap3A_146 = vector.shape_cast %mul3A_142 : vector<16xi32> to vector<16xi32>
      tpu.vector_store %arg11[%swap3A_143], %swap3A_146 {strides = array<i32>} : memref<80xi32, #tpu.memory_space<vmem>>, vector<16xi32>,
      %sub3A_147 = arith.constant 5120 : i32
      %sub3A_148 = vector.broadcast %sub3A_147 : i32 to vector<16xi32>
      %sub3A_149 = arith.subi %get3A_133, %sub3A_148 : vector<16xi32>
      %add3A_150 = arith.constant 64 : i32
      %add3A_151 = vector.broadcast %add3A_150 : i32 to vector<16xi32>
      %add3A_152 = arith.addi %sub3A_149, %add3A_151 : vector<16xi32>
      %select_n3A_153 = arith.select %lt3A_136, %add3A_128, %add3A_152 : vector<16xi1>, vector<16xi32>
      %mul3A_154 = vector.broadcast %select_n3A : i32 to vector<16xi32>
      %mul3A_155 = arith.muli %select_n3A_153, %mul3A_154 : vector<16xi32>
      %swap3A_156 = arith.constant 32 : index
      %swap3A_157 = tpu.vector_load %arg13[%swap3A_156] {strides = array<i32>} : memref<80xi32, #tpu.memory_space<vmem>>, vector<16xi32>,
      %swap3A_158 = vector.shape_cast %swap3A_157 : vector<16xi32> to vector<16xi32>
      %swap3A_159 = vector.shape_cast %mul3A_155 : vector<16xi32> to vector<16xi32>
      tpu.vector_store %arg13[%swap3A_156], %swap3A_159 {strides = array<i32>} : memref<80xi32, #tpu.memory_space<vmem>>, vector<16xi32>,
      %iota3A_160 = tpu.iota {dimensions = array<i32: 0>} : vector<16xi32>
      %add3A_161 = arith.constant 48 : i32
      %add3A_162 = vector.broadcast %add3A_161 : i32 to vector<16xi32>
      %add3A_163 = arith.addi %iota3A_160, %add3A_162 : vector<16xi32>
      %add3A_164 = arith.constant 48 : i32
      %add3A_165 = arith.addi %mul3A_58, %add3A_164 : i32
      %get3A_166 = arith.index_cast %add3A_165 : i32 to index
      %get3A_167 = tpu.vector_load %arg10[%get3A_166] {strides = array<i32>} : memref<10000xi32, #tpu.memory_space<vmem>>, vector<16xi32>,
      %get3A_168 = vector.shape_cast %get3A_167 : vector<16xi32> to vector<16xi32>
      %lt3A_169 = arith.constant 5120 : i32
      %lt3A_170 = vector.broadcast %lt3A_169 : i32 to vector<16xi32>
      %lt3A_171 = arith.cmpi slt, %get3A_168, %lt3A_170 : vector<16xi32>
      %add3A_172 = arith.constant 64 : i32
      %add3A_173 = vector.broadcast %add3A_172 : i32 to vector<16xi32>
      %add3A_174 = arith.addi %get3A_168, %add3A_173 : vector<16xi32>
      %select_n3A_175 = arith.select %lt3A_171, %add3A_174, %add3A_163 : vector<16xi1>, vector<16xi32>
      %mul3A_176 = vector.broadcast %select_n3A : i32 to vector<16xi32>
      %mul3A_177 = arith.muli %select_n3A_175, %mul3A_176 : vector<16xi32>
      %swap3A_178 = arith.constant 48 : index
      %swap3A_179 = tpu.vector_load %arg11[%swap3A_178] {strides = array<i32>} : memref<80xi32, #tpu.memory_space<vmem>>, vector<16xi32>,
      %swap3A_180 = vector.shape_cast %swap3A_179 : vector<16xi32> to vector<16xi32>
      %swap3A_181 = vector.shape_cast %mul3A_177 : vector<16xi32> to vector<16xi32>
      tpu.vector_store %arg11[%swap3A_178], %swap3A_181 {strides = array<i32>} : memref<80xi32, #tpu.memory_space<vmem>>, vector<16xi32>,
      %sub3A_182 = arith.constant 5120 : i32
      %sub3A_183 = vector.broadcast %sub3A_182 : i32 to vector<16xi32>
      %sub3A_184 = arith.subi %get3A_168, %sub3A_183 : vector<16xi32>
      %add3A_185 = arith.constant 64 : i32
      %add3A_186 = vector.broadcast %add3A_185 : i32 to vector<16xi32>
      %add3A_187 = arith.addi %sub3A_184, %add3A_186 : vector<16xi32>
      %select_n3A_188 = arith.select %lt3A_171, %add3A_163, %add3A_187 : vector<16xi1>, vector<16xi32>
      %mul3A_189 = vector.broadcast %select_n3A : i32 to vector<16xi32>
      %mul3A_190 = arith.muli %select_n3A_188, %mul3A_189 : vector<16xi32>
      %swap3A_191 = arith.constant 48 : index
      %swap3A_192 = tpu.vector_load %arg13[%swap3A_191] {strides = array<i32>} : memref<80xi32, #tpu.memory_space<vmem>>, vector<16xi32>,
      %swap3A_193 = vector.shape_cast %swap3A_192 : vector<16xi32> to vector<16xi32>
      %swap3A_194 = vector.shape_cast %mul3A_190 : vector<16xi32> to vector<16xi32>
      tpu.vector_store %arg13[%swap3A_191], %swap3A_194 {strides = array<i32>} : memref<80xi32, #tpu.memory_space<vmem>>, vector<16xi32>,
      %iota3A_195 = tpu.iota {dimensions = array<i32: 0>} : vector<16xi32>
      %add3A_196 = arith.constant 0 : i32
      %add3A_197 = vector.broadcast %add3A_196 : i32 to vector<16xi32>
      %add3A_198 = arith.addi %iota3A_195, %add3A_197 : vector<16xi32>
      %add3A_199 = arith.constant 64 : i32
      %add3A_200 = arith.addi %mul3A_58, %add3A_199 : i32
      %get3A_201 = arith.index_cast %add3A_200 : i32 to index
      %get3A_202 = tpu.vector_load %arg10[%get3A_201] {strides = array<i32>} : memref<10000xi32, #tpu.memory_space<vmem>>, vector<16xi32>,
      %get3A_203 = vector.shape_cast %get3A_202 : vector<16xi32> to vector<16xi32>
      %lt3A_204 = arith.constant 5120 : i32
      %lt3A_205 = vector.broadcast %lt3A_204 : i32 to vector<16xi32>
      %lt3A_206 = arith.cmpi slt, %get3A_203, %lt3A_205 : vector<16xi32>
      %add3A_207 = arith.constant 64 : i32
      %add3A_208 = vector.broadcast %add3A_207 : i32 to vector<16xi32>
      %add3A_209 = arith.addi %get3A_203, %add3A_208 : vector<16xi32>
      %select_n3A_210 = arith.select %lt3A_206, %add3A_209, %add3A_198 : vector<16xi1>, vector<16xi32>
      %mul3A_211 = vector.broadcast %select_n3A : i32 to vector<16xi32>
      %mul3A_212 = arith.muli %select_n3A_210, %mul3A_211 : vector<16xi32>
      %swap3A_213 = arith.constant 64 : index
      %swap3A_214 = tpu.vector_load %arg11[%swap3A_213] {strides = array<i32>} : memref<80xi32, #tpu.memory_space<vmem>>, vector<16xi32>,
      %swap3A_215 = vector.shape_cast %swap3A_214 : vector<16xi32> to vector<16xi32>
      %swap3A_216 = vector.shape_cast %mul3A_212 : vector<16xi32> to vector<16xi32>
      tpu.vector_store %arg11[%swap3A_213], %swap3A_216 {strides = array<i32>} : memref<80xi32, #tpu.memory_space<vmem>>, vector<16xi32>,
      %sub3A_217 = arith.constant 5120 : i32
      %sub3A_218 = vector.broadcast %sub3A_217 : i32 to vector<16xi32>
      %sub3A_219 = arith.subi %get3A_203, %sub3A_218 : vector<16xi32>
      %add3A_220 = arith.constant 64 : i32
      %add3A_221 = vector.broadcast %add3A_220 : i32 to vector<16xi32>
      %add3A_222 = arith.addi %sub3A_219, %add3A_221 : vector<16xi32>
      %select_n3A_223 = arith.select %lt3A_206, %add3A_198, %add3A_222 : vector<16xi1>, vector<16xi32>
      %mul3A_224 = vector.broadcast %select_n3A : i32 to vector<16xi32>
      %mul3A_225 = arith.muli %select_n3A_223, %mul3A_224 : vector<16xi32>
      %swap3A_226 = arith.constant 64 : index
      %swap3A_227 = tpu.vector_load %arg13[%swap3A_226] {strides = array<i32>} : memref<80xi32, #tpu.memory_space<vmem>>, vector<16xi32>,
      %swap3A_228 = vector.shape_cast %swap3A_227 : vector<16xi32> to vector<16xi32>
      %swap3A_229 = vector.shape_cast %mul3A_225 : vector<16xi32> to vector<16xi32>
      tpu.vector_store %arg13[%swap3A_226], %swap3A_229 {strides = array<i32>} : memref<80xi32, #tpu.memory_space<vmem>>, vector<16xi32>,
      %add3A_230 = arith.constant 1 : i32
      %add3A_231 = arith.addi %mul3A_50, %add3A_230 : i32
      %lt3A_232 = arith.constant 125 : i32
      %lt3A_233 = arith.cmpi slt, %add3A_231, %lt3A_232 : i32
      %jit3A_234 = arith.constant 1 : i32
      %jit3A_235 = arith.constant 0 : i32
      %select_n3A_236 = arith.select %lt3A_233, %jit3A_234, %jit3A_235 : i32
      %min3A_237 = arith.constant 124 : i32
      %min3A_238 = arith.minsi %add3A_231, %min3A_237 : i32
      %mul3A_239 = arith.constant 80 : i32
      %mul3A_240 = arith.muli %min3A_238, %mul3A_239 : i32
      %iota3A_241 = tpu.iota {dimensions = array<i32: 0>} : vector<16xi32>
      %add3A_242 = arith.constant 0 : i32
      %add3A_243 = vector.broadcast %add3A_242 : i32 to vector<16xi32>
      %add3A_244 = arith.addi %iota3A_241, %add3A_243 : vector<16xi32>
      %add3A_245 = arith.constant 0 : i32
      %add3A_246 = arith.addi %mul3A_240, %add3A_245 : i32
      %get3A_247 = arith.index_cast %add3A_246 : i32 to index
      %get3A_248 = tpu.vector_load %arg10[%get3A_247] {strides = array<i32>} : memref<10000xi32, #tpu.memory_space<vmem>>, vector<16xi32>,
      %get3A_249 = vector.shape_cast %get3A_248 : vector<16xi32> to vector<16xi32>
      %lt3A_250 = arith.constant 5120 : i32
      %lt3A_251 = vector.broadcast %lt3A_250 : i32 to vector<16xi32>
      %lt3A_252 = arith.cmpi slt, %get3A_249, %lt3A_251 : vector<16xi32>
      %add3A_253 = arith.constant 64 : i32
      %add3A_254 = vector.broadcast %add3A_253 : i32 to vector<16xi32>
      %add3A_255 = arith.addi %get3A_249, %add3A_254 : vector<16xi32>
      %select_n3A_256 = arith.select %lt3A_252, %add3A_255, %add3A_244 : vector<16xi1>, vector<16xi32>
      %mul3A_257 = vector.broadcast %select_n3A_236 : i32 to vector<16xi32>
      %mul3A_258 = arith.muli %select_n3A_256, %mul3A_257 : vector<16xi32>
      %swap3A_259 = arith.constant 0 : index
      %swap3A_260 = tpu.vector_load %arg12[%swap3A_259] {strides = array<i32>} : memref<80xi32, #tpu.memory_space<vmem>>, vector<16xi32>,
      %swap3A_261 = vector.shape_cast %swap3A_260 : vector<16xi32> to vector<16xi32>
      %swap3A_262 = vector.shape_cast %mul3A_258 : vector<16xi32> to vector<16xi32>
      tpu.vector_store %arg12[%swap3A_259], %swap3A_262 {strides = array<i32>} : memref<80xi32, #tpu.memory_space<vmem>>, vector<16xi32>,
      %sub3A_263 = arith.constant 5120 : i32
      %sub3A_264 = vector.broadcast %sub3A_263 : i32 to vector<16xi32>
      %sub3A_265 = arith.subi %get3A_249, %sub3A_264 : vector<16xi32>
      %add3A_266 = arith.constant 64 : i32
      %add3A_267 = vector.broadcast %add3A_266 : i32 to vector<16xi32>
      %add3A_268 = arith.addi %sub3A_265, %add3A_267 : vector<16xi32>
      %select_n3A_269 = arith.select %lt3A_252, %add3A_244, %add3A_268 : vector<16xi1>, vector<16xi32>
      %mul3A_270 = vector.broadcast %select_n3A_236 : i32 to vector<16xi32>
      %mul3A_271 = arith.muli %select_n3A_269, %mul3A_270 : vector<16xi32>
      %swap3A_272 = arith.constant 0 : index
      %swap3A_273 = tpu.vector_load %arg14[%swap3A_272] {strides = array<i32>} : memref<80xi32, #tpu.memory_space<vmem>>, vector<16xi32>,
      %swap3A_274 = vector.shape_cast %swap3A_273 : vector<16xi32> to vector<16xi32>
      %swap3A_275 = vector.shape_cast %mul3A_271 : vector<16xi32> to vector<16xi32>
      tpu.vector_store %arg14[%swap3A_272], %swap3A_275 {strides = array<i32>} : memref<80xi32, #tpu.memory_space<vmem>>, vector<16xi32>,
      %iota3A_276 = tpu.iota {dimensions = array<i32: 0>} : vector<16xi32>
      %add3A_277 = arith.constant 16 : i32
      %add3A_278 = vector.broadcast %add3A_277 : i32 to vector<16xi32>
      %add3A_279 = arith.addi %iota3A_276, %add3A_278 : vector<16xi32>
      %add3A_280 = arith.constant 16 : i32
      %add3A_281 = arith.addi %mul3A_240, %add3A_280 : i32
      %get3A_282 = arith.index_cast %add3A_281 : i32 to index
      %get3A_283 = tpu.vector_load %arg10[%get3A_282] {strides = array<i32>} : memref<10000xi32, #tpu.memory_space<vmem>>, vector<16xi32>,
      %get3A_284 = vector.shape_cast %get3A_283 : vector<16xi32> to vector<16xi32>
      %lt3A_285 = arith.constant 5120 : i32
      %lt3A_286 = vector.broadcast %lt3A_285 : i32 to vector<16xi32>
      %lt3A_287 = arith.cmpi slt, %get3A_284, %lt3A_286 : vector<16xi32>
      %add3A_288 = arith.constant 64 : i32
      %add3A_289 = vector.broadcast %add3A_288 : i32 to vector<16xi32>
      %add3A_290 = arith.addi %get3A_284, %add3A_289 : vector<16xi32>
      %select_n3A_291 = arith.select %lt3A_287, %add3A_290, %add3A_279 : vector<16xi1>, vector<16xi32>
      %mul3A_292 = vector.broadcast %select_n3A_236 : i32 to vector<16xi32>
      %mul3A_293 = arith.muli %select_n3A_291, %mul3A_292 : vector<16xi32>
      %swap3A_294 = arith.constant 16 : index
      %swap3A_295 = tpu.vector_load %arg12[%swap3A_294] {strides = array<i32>} : memref<80xi32, #tpu.memory_space<vmem>>, vector<16xi32>,
      %swap3A_296 = vector.shape_cast %swap3A_295 : vector<16xi32> to vector<16xi32>
      %swap3A_297 = vector.shape_cast %mul3A_293 : vector<16xi32> to vector<16xi32>
      tpu.vector_store %arg12[%swap3A_294], %swap3A_297 {strides = array<i32>} : memref<80xi32, #tpu.memory_space<vmem>>, vector<16xi32>,
      %sub3A_298 = arith.constant 5120 : i32
      %sub3A_299 = vector.broadcast %sub3A_298 : i32 to vector<16xi32>
      %sub3A_300 = arith.subi %get3A_284, %sub3A_299 : vector<16xi32>
      %add3A_301 = arith.constant 64 : i32
      %add3A_302 = vector.broadcast %add3A_301 : i32 to vector<16xi32>
      %add3A_303 = arith.addi %sub3A_300, %add3A_302 : vector<16xi32>
      %select_n3A_304 = arith.select %lt3A_287, %add3A_279, %add3A_303 : vector<16xi1>, vector<16xi32>
      %mul3A_305 = vector.broadcast %select_n3A_236 : i32 to vector<16xi32>
      %mul3A_306 = arith.muli %select_n3A_304, %mul3A_305 : vector<16xi32>
      %swap3A_307 = arith.constant 16 : index
      %swap3A_308 = tpu.vector_load %arg14[%swap3A_307] {strides = array<i32>} : memref<80xi32, #tpu.memory_space<vmem>>, vector<16xi32>,
      %swap3A_309 = vector.shape_cast %swap3A_308 : vector<16xi32> to vector<16xi32>
      %swap3A_310 = vector.shape_cast %mul3A_306 : vector<16xi32> to vector<16xi32>
      tpu.vector_store %arg14[%swap3A_307], %swap3A_310 {strides = array<i32>} : memref<80xi32, #tpu.memory_space<vmem>>, vector<16xi32>,
      %iota3A_311 = tpu.iota {dimensions = array<i32: 0>} : vector<16xi32>
      %add3A_312 = arith.constant 32 : i32
      %add3A_313 = vector.broadcast %add3A_312 : i32 to vector<16xi32>
      %add3A_314 = arith.addi %iota3A_311, %add3A_313 : vector<16xi32>
      %add3A_315 = arith.constant 32 : i32
      %add3A_316 = arith.addi %mul3A_240, %add3A_315 : i32
      %get3A_317 = arith.index_cast %add3A_316 : i32 to index
      %get3A_318 = tpu.vector_load %arg10[%get3A_317] {strides = array<i32>} : memref<10000xi32, #tpu.memory_space<vmem>>, vector<16xi32>,
      %get3A_319 = vector.shape_cast %get3A_318 : vector<16xi32> to vector<16xi32>
      %lt3A_320 = arith.constant 5120 : i32
      %lt3A_321 = vector.broadcast %lt3A_320 : i32 to vector<16xi32>
      %lt3A_322 = arith.cmpi slt, %get3A_319, %lt3A_321 : vector<16xi32>
      %add3A_323 = arith.constant 64 : i32
      %add3A_324 = vector.broadcast %add3A_323 : i32 to vector<16xi32>
      %add3A_325 = arith.addi %get3A_319, %add3A_324 : vector<16xi32>
      %select_n3A_326 = arith.select %lt3A_322, %add3A_325, %add3A_314 : vector<16xi1>, vector<16xi32>
      %mul3A_327 = vector.broadcast %select_n3A_236 : i32 to vector<16xi32>
      %mul3A_328 = arith.muli %select_n3A_326, %mul3A_327 : vector<16xi32>
      %swap3A_329 = arith.constant 32 : index
      %swap3A_330 = tpu.vector_load %arg12[%swap3A_329] {strides = array<i32>} : memref<80xi32, #tpu.memory_space<vmem>>, vector<16xi32>,
      %swap3A_331 = vector.shape_cast %swap3A_330 : vector<16xi32> to vector<16xi32>
      %swap3A_332 = vector.shape_cast %mul3A_328 : vector<16xi32> to vector<16xi32>
      tpu.vector_store %arg12[%swap3A_329], %swap3A_332 {strides = array<i32>} : memref<80xi32, #tpu.memory_space<vmem>>, vector<16xi32>,
      %sub3A_333 = arith.constant 5120 : i32
      %sub3A_334 = vector.broadcast %sub3A_333 : i32 to vector<16xi32>
      %sub3A_335 = arith.subi %get3A_319, %sub3A_334 : vector<16xi32>
      %add3A_336 = arith.constant 64 : i32
      %add3A_337 = vector.broadcast %add3A_336 : i32 to vector<16xi32>
      %add3A_338 = arith.addi %sub3A_335, %add3A_337 : vector<16xi32>
      %select_n3A_339 = arith.select %lt3A_322, %add3A_314, %add3A_338 : vector<16xi1>, vector<16xi32>
      %mul3A_340 = vector.broadcast %select_n3A_236 : i32 to vector<16xi32>
      %mul3A_341 = arith.muli %select_n3A_339, %mul3A_340 : vector<16xi32>
      %swap3A_342 = arith.constant 32 : index
      %swap3A_343 = tpu.vector_load %arg14[%swap3A_342] {strides = array<i32>} : memref<80xi32, #tpu.memory_space<vmem>>, vector<16xi32>,
      %swap3A_344 = vector.shape_cast %swap3A_343 : vector<16xi32> to vector<16xi32>
      %swap3A_345 = vector.shape_cast %mul3A_341 : vector<16xi32> to vector<16xi32>
      tpu.vector_store %arg14[%swap3A_342], %swap3A_345 {strides = array<i32>} : memref<80xi32, #tpu.memory_space<vmem>>, vector<16xi32>,
      %iota3A_346 = tpu.iota {dimensions = array<i32: 0>} : vector<16xi32>
      %add3A_347 = arith.constant 48 : i32
      %add3A_348 = vector.broadcast %add3A_347 : i32 to vector<16xi32>
      %add3A_349 = arith.addi %iota3A_346, %add3A_348 : vector<16xi32>
      %add3A_350 = arith.constant 48 : i32
      %add3A_351 = arith.addi %mul3A_240, %add3A_350 : i32
      %get3A_352 = arith.index_cast %add3A_351 : i32 to index
      %get3A_353 = tpu.vector_load %arg10[%get3A_352] {strides = array<i32>} : memref<10000xi32, #tpu.memory_space<vmem>>, vector<16xi32>,
      %get3A_354 = vector.shape_cast %get3A_353 : vector<16xi32> to vector<16xi32>
      %lt3A_355 = arith.constant 5120 : i32
      %lt3A_356 = vector.broadcast %lt3A_355 : i32 to vector<16xi32>
      %lt3A_357 = arith.cmpi slt, %get3A_354, %lt3A_356 : vector<16xi32>
      %add3A_358 = arith.constant 64 : i32
      %add3A_359 = vector.broadcast %add3A_358 : i32 to vector<16xi32>
      %add3A_360 = arith.addi %get3A_354, %add3A_359 : vector<16xi32>
      %select_n3A_361 = arith.select %lt3A_357, %add3A_360, %add3A_349 : vector<16xi1>, vector<16xi32>
      %mul3A_362 = vector.broadcast %select_n3A_236 : i32 to vector<16xi32>
      %mul3A_363 = arith.muli %select_n3A_361, %mul3A_362 : vector<16xi32>
      %swap3A_364 = arith.constant 48 : index
      %swap3A_365 = tpu.vector_load %arg12[%swap3A_364] {strides = array<i32>} : memref<80xi32, #tpu.memory_space<vmem>>, vector<16xi32>,
      %swap3A_366 = vector.shape_cast %swap3A_365 : vector<16xi32> to vector<16xi32>
      %swap3A_367 = vector.shape_cast %mul3A_363 : vector<16xi32> to vector<16xi32>
      tpu.vector_store %arg12[%swap3A_364], %swap3A_367 {strides = array<i32>} : memref<80xi32, #tpu.memory_space<vmem>>, vector<16xi32>,
      %sub3A_368 = arith.constant 5120 : i32
      %sub3A_369 = vector.broadcast %sub3A_368 : i32 to vector<16xi32>
      %sub3A_370 = arith.subi %get3A_354, %sub3A_369 : vector<16xi32>
      %add3A_371 = arith.constant 64 : i32
      %add3A_372 = vector.broadcast %add3A_371 : i32 to vector<16xi32>
      %add3A_373 = arith.addi %sub3A_370, %add3A_372 : vector<16xi32>
      %select_n3A_374 = arith.select %lt3A_357, %add3A_349, %add3A_373 : vector<16xi1>, vector<16xi32>
      %mul3A_375 = vector.broadcast %select_n3A_236 : i32 to vector<16xi32>
      %mul3A_376 = arith.muli %select_n3A_374, %mul3A_375 : vector<16xi32>
      %swap3A_377 = arith.constant 48 : index
      %swap3A_378 = tpu.vector_load %arg14[%swap3A_377] {strides = array<i32>} : memref<80xi32, #tpu.memory_space<vmem>>, vector<16xi32>,
      %swap3A_379 = vector.shape_cast %swap3A_378 : vector<16xi32> to vector<16xi32>
      %swap3A_380 = vector.shape_cast %mul3A_376 : vector<16xi32> to vector<16xi32>
      tpu.vector_store %arg14[%swap3A_377], %swap3A_380 {strides = array<i32>} : memref<80xi32, #tpu.memory_space<vmem>>, vector<16xi32>,
      %iota3A_381 = tpu.iota {dimensions = array<i32: 0>} : vector<16xi32>
      %add3A_382 = arith.constant 0 : i32
      %add3A_383 = vector.broadcast %add3A_382 : i32 to vector<16xi32>
      %add3A_384 = arith.addi %iota3A_381, %add3A_383 : vector<16xi32>
      %add3A_385 = arith.constant 64 : i32
      %add3A_386 = arith.addi %mul3A_240, %add3A_385 : i32
      %get3A_387 = arith.index_cast %add3A_386 : i32 to index
      %get3A_388 = tpu.vector_load %arg10[%get3A_387] {strides = array<i32>} : memref<10000xi32, #tpu.memory_space<vmem>>, vector<16xi32>,
      %get3A_389 = vector.shape_cast %get3A_388 : vector<16xi32> to vector<16xi32>
      %lt3A_390 = arith.constant 5120 : i32
      %lt3A_391 = vector.broadcast %lt3A_390 : i32 to vector<16xi32>
      %lt3A_392 = arith.cmpi slt, %get3A_389, %lt3A_391 : vector<16xi32>
      %add3A_393 = arith.constant 64 : i32
      %add3A_394 = vector.broadcast %add3A_393 : i32 to vector<16xi32>
      %add3A_395 = arith.addi %get3A_389, %add3A_394 : vector<16xi32>
      %select_n3A_396 = arith.select %lt3A_392, %add3A_395, %add3A_384 : vector<16xi1>, vector<16xi32>
      %mul3A_397 = vector.broadcast %select_n3A_236 : i32 to vector<16xi32>
      %mul3A_398 = arith.muli %select_n3A_396, %mul3A_397 : vector<16xi32>
      %swap3A_399 = arith.constant 64 : index
      %swap3A_400 = tpu.vector_load %arg12[%swap3A_399] {strides = array<i32>} : memref<80xi32, #tpu.memory_space<vmem>>, vector<16xi32>,
      %swap3A_401 = vector.shape_cast %swap3A_400 : vector<16xi32> to vector<16xi32>
      %swap3A_402 = vector.shape_cast %mul3A_398 : vector<16xi32> to vector<16xi32>
      tpu.vector_store %arg12[%swap3A_399], %swap3A_402 {strides = array<i32>} : memref<80xi32, #tpu.memory_space<vmem>>, vector<16xi32>,
      %sub3A_403 = arith.constant 5120 : i32
      %sub3A_404 = vector.broadcast %sub3A_403 : i32 to vector<16xi32>
      %sub3A_405 = arith.subi %get3A_389, %sub3A_404 : vector<16xi32>
      %add3A_406 = arith.constant 64 : i32
      %add3A_407 = vector.broadcast %add3A_406 : i32 to vector<16xi32>
      %add3A_408 = arith.addi %sub3A_405, %add3A_407 : vector<16xi32>
      %select_n3A_409 = arith.select %lt3A_392, %add3A_384, %add3A_408 : vector<16xi1>, vector<16xi32>
      %mul3A_410 = vector.broadcast %select_n3A_236 : i32 to vector<16xi32>
      %mul3A_411 = arith.muli %select_n3A_409, %mul3A_410 : vector<16xi32>
      %swap3A_412 = arith.constant 64 : index
      %swap3A_413 = tpu.vector_load %arg14[%swap3A_412] {strides = array<i32>} : memref<80xi32, #tpu.memory_space<vmem>>, vector<16xi32>,
      %swap3A_414 = vector.shape_cast %swap3A_413 : vector<16xi32> to vector<16xi32>
      %swap3A_415 = vector.shape_cast %mul3A_411 : vector<16xi32> to vector<16xi32>
      tpu.vector_store %arg14[%swap3A_412], %swap3A_415 {strides = array<i32>} : memref<80xi32, #tpu.memory_space<vmem>>, vector<16xi32>,
      %dma_wait3A_416 = arith.constant 0 : i32
      %dma_wait3A_417 = arith.constant 0 : i32
      %dma_wait3A_418 = tpu.memref_slice %arg4[%dma_wait3A_416, %dma_wait3A_417] : memref<10000x128xf32, #tpu.memory_space<hbm>> -> memref<80x128xf32, #tpu.memory_space<hbm>>
      %dma_wait3A_419 = arith.constant 0 : i32
      %dma_wait3A_420 = arith.constant 0 : i32
      %dma_wait3A_421 = tpu.memref_slice %arg4[%dma_wait3A_419, %dma_wait3A_420] : memref<10000x128xf32, #tpu.memory_space<hbm>> -> memref<80x128xf32, #tpu.memory_space<hbm>>
      tpu.wait_dma2 semaphore(%arg17 : memref<!tpu.dma_semaphore, #tpu.memory_space<semaphore_mem>>) src(%dma_wait3A_421 : memref<80x128xf32, #tpu.memory_space<hbm>>) dst(%arg15 : memref<80x128xf32, #tpu.memory_space<vmem>>)
      %dma_start3A_422 = arith.constant 0 : i32
      %dma_start3A_423 = arith.constant 0 : i32
      %dma_start3A_424 = tpu.memref_slice %arg7[%dma_start3A_422, %dma_start3A_423] : memref<5248x128xf32, #tpu.memory_space<vmem_shared>> -> memref<5248x128xf32, #tpu.memory_space<vmem_shared>>
      tpu.enqueue_indirect_dma source(%arg15 : memref<80x128xf32, #tpu.memory_space<vmem>>) target(%dma_start3A_424 : memref<5248x128xf32, #tpu.memory_space<vmem_shared>>) offsets(%arg11 : memref<80xi32, #tpu.memory_space<vmem>>) semaphore(%arg19 : memref<!tpu.dma_semaphore, #tpu.memory_space<semaphore_mem>>) {add = true}
      %dma_start3A_425 = arith.constant 0 : i32
      %dma_start3A_426 = arith.constant 0 : i32
      %dma_start3A_427 = tpu.memref_slice %arg8[%dma_start3A_425, %dma_start3A_426] : memref<5248x128xf32, #tpu.memory_space<vmem_shared>> -> memref<5248x128xf32, #tpu.memory_space<vmem_shared>>
      tpu.enqueue_indirect_dma source(%arg15 : memref<80x128xf32, #tpu.memory_space<vmem>>) target(%dma_start3A_427 : memref<5248x128xf32, #tpu.memory_space<vmem_shared>>) offsets(%arg13 : memref<80xi32, #tpu.memory_space<vmem>>) semaphore(%arg19 : memref<!tpu.dma_semaphore, #tpu.memory_space<semaphore_mem>>) {add = true}
      %dma_wait3A_428 = arith.constant 0 : i32
      %dma_wait3A_429 = arith.constant 0 : i32
      %dma_wait3A_430 = tpu.memref_slice %arg4[%dma_wait3A_428, %dma_wait3A_429] : memref<10000x128xf32, #tpu.memory_space<hbm>> -> memref<80x128xf32, #tpu.memory_space<hbm>>
      %dma_wait3A_431 = arith.constant 0 : i32
      %dma_wait3A_432 = arith.constant 0 : i32
      %dma_wait3A_433 = tpu.memref_slice %arg4[%dma_wait3A_431, %dma_wait3A_432] : memref<10000x128xf32, #tpu.memory_space<hbm>> -> memref<80x128xf32, #tpu.memory_space<hbm>>
      tpu.wait_dma2 semaphore(%arg18 : memref<!tpu.dma_semaphore, #tpu.memory_space<semaphore_mem>>) src(%dma_wait3A_433 : memref<80x128xf32, #tpu.memory_space<hbm>>) dst(%arg16 : memref<80x128xf32, #tpu.memory_space<vmem>>)
      %dma_start3A_434 = arith.constant 0 : i32
      %dma_start3A_435 = arith.constant 0 : i32
      %dma_start3A_436 = tpu.memref_slice %arg7[%dma_start3A_434, %dma_start3A_435] : memref<5248x128xf32, #tpu.memory_space<vmem_shared>> -> memref<5248x128xf32, #tpu.memory_space<vmem_shared>>
      tpu.enqueue_indirect_dma source(%arg16 : memref<80x128xf32, #tpu.memory_space<vmem>>) target(%dma_start3A_436 : memref<5248x128xf32, #tpu.memory_space<vmem_shared>>) offsets(%arg12 : memref<80xi32, #tpu.memory_space<vmem>>) semaphore(%arg20 : memref<!tpu.dma_semaphore, #tpu.memory_space<semaphore_mem>>) {add = true}
      %dma_start3A_437 = arith.constant 0 : i32
      %dma_start3A_438 = arith.constant 0 : i32
      %dma_start3A_439 = tpu.memref_slice %arg8[%dma_start3A_437, %dma_start3A_438] : memref<5248x128xf32, #tpu.memory_space<vmem_shared>> -> memref<5248x128xf32, #tpu.memory_space<vmem_shared>>
      tpu.enqueue_indirect_dma source(%arg16 : memref<80x128xf32, #tpu.memory_space<vmem>>) target(%dma_start3A_439 : memref<5248x128xf32, #tpu.memory_space<vmem_shared>>) offsets(%arg14 : memref<80xi32, #tpu.memory_space<vmem>>) semaphore(%arg20 : memref<!tpu.dma_semaphore, #tpu.memory_space<semaphore_mem>>) {add = true}
      %dma_wait3A_440 = arith.constant 0 : i32
      %dma_wait3A_441 = arith.constant 0 : i32
      %dma_wait3A_442 = tpu.memref_slice %arg4[%dma_wait3A_440, %dma_wait3A_441] : memref<10000x128xf32, #tpu.memory_space<hbm>> -> memref<80x128xf32, #tpu.memory_space<hbm>>
      %dma_wait3A_443 = arith.constant 0 : i32
      %dma_wait3A_444 = arith.constant 0 : i32
      %dma_wait3A_445 = tpu.memref_slice %arg4[%dma_wait3A_443, %dma_wait3A_444] : memref<10000x128xf32, #tpu.memory_space<hbm>> -> memref<80x128xf32, #tpu.memory_space<hbm>>
      tpu.wait_dma2 semaphore(%arg19 : memref<!tpu.dma_semaphore, #tpu.memory_space<semaphore_mem>>) src(%dma_wait3A_445 : memref<80x128xf32, #tpu.memory_space<hbm>>) dst(%arg15 : memref<80x128xf32, #tpu.memory_space<vmem>>)
      %dma_wait3A_446 = arith.constant 0 : i32
      %dma_wait3A_447 = arith.constant 0 : i32
      %dma_wait3A_448 = tpu.memref_slice %arg4[%dma_wait3A_446, %dma_wait3A_447] : memref<10000x128xf32, #tpu.memory_space<hbm>> -> memref<80x128xf32, #tpu.memory_space<hbm>>
      %dma_wait3A_449 = arith.constant 0 : i32
      %dma_wait3A_450 = arith.constant 0 : i32
      %dma_wait3A_451 = tpu.memref_slice %arg4[%dma_wait3A_449, %dma_wait3A_450] : memref<10000x128xf32, #tpu.memory_space<hbm>> -> memref<80x128xf32, #tpu.memory_space<hbm>>
      tpu.wait_dma2 semaphore(%arg19 : memref<!tpu.dma_semaphore, #tpu.memory_space<semaphore_mem>>) src(%dma_wait3A_451 : memref<80x128xf32, #tpu.memory_space<hbm>>) dst(%arg15 : memref<80x128xf32, #tpu.memory_space<vmem>>)
      %add3A_452 = arith.constant 2 : i32
      %add3A_453 = arith.addi %mul3A_50, %add3A_452 : i32
      %add3A_454 = arith.constant 0 : i32
      %add3A_455 = arith.addi %add3A_453, %add3A_454 : i32
      %min3A_456 = arith.constant 124 : i32
      %min3A_457 = arith.minsi %add3A_455, %min3A_456 : i32
      %mul3A_458 = arith.constant 80 : i32
      %mul3A_459 = arith.muli %min3A_457, %mul3A_458 : i32
      %dma_start3A_460 = tpu.memref_slice %arg9[%mul3A_459] : memref<10000xi32, #tpu.memory_space<vmem>> -> memref<80xi32, #tpu.memory_space<vmem>>
      %dma_start3A_461 = arith.constant 0 : i32
      %dma_start3A_462 = arith.constant 0 : i32
      %dma_start3A_463 = tpu.memref_slice %arg4[%dma_start3A_461, %dma_start3A_462] : memref<10000x128xf32, #tpu.memory_space<hbm>> -> memref<10000x128xf32, #tpu.memory_space<hbm>>
      tpu.enqueue_indirect_dma source(%dma_start3A_463 : memref<10000x128xf32, #tpu.memory_space<hbm>>) target(%arg15 : memref<80x128xf32, #tpu.memory_space<vmem>>) offsets(%dma_start3A_460 : memref<80xi32, #tpu.memory_space<vmem>>) semaphore(%arg17 : memref<!tpu.dma_semaphore, #tpu.memory_space<semaphore_mem>>)
      %dma_wait3A_464 = arith.constant 0 : i32
      %dma_wait3A_465 = arith.constant 0 : i32
      %dma_wait3A_466 = tpu.memref_slice %arg4[%dma_wait3A_464, %dma_wait3A_465] : memref<10000x128xf32, #tpu.memory_space<hbm>> -> memref<80x128xf32, #tpu.memory_space<hbm>>
      %dma_wait3A_467 = arith.constant 0 : i32
      %dma_wait3A_468 = arith.constant 0 : i32
      %dma_wait3A_469 = tpu.memref_slice %arg4[%dma_wait3A_467, %dma_wait3A_468] : memref<10000x128xf32, #tpu.memory_space<hbm>> -> memref<80x128xf32, #tpu.memory_space<hbm>>
      tpu.wait_dma2 semaphore(%arg20 : memref<!tpu.dma_semaphore, #tpu.memory_space<semaphore_mem>>) src(%dma_wait3A_469 : memref<80x128xf32, #tpu.memory_space<hbm>>) dst(%arg16 : memref<80x128xf32, #tpu.memory_space<vmem>>)
      %dma_wait3A_470 = arith.constant 0 : i32
      %dma_wait3A_471 = arith.constant 0 : i32
      %dma_wait3A_472 = tpu.memref_slice %arg4[%dma_wait3A_470, %dma_wait3A_471] : memref<10000x128xf32, #tpu.memory_space<hbm>> -> memref<80x128xf32, #tpu.memory_space<hbm>>
      %dma_wait3A_473 = arith.constant 0 : i32
      %dma_wait3A_474 = arith.constant 0 : i32
      %dma_wait3A_475 = tpu.memref_slice %arg4[%dma_wait3A_473, %dma_wait3A_474] : memref<10000x128xf32, #tpu.memory_space<hbm>> -> memref<80x128xf32, #tpu.memory_space<hbm>>
      tpu.wait_dma2 semaphore(%arg20 : memref<!tpu.dma_semaphore, #tpu.memory_space<semaphore_mem>>) src(%dma_wait3A_475 : memref<80x128xf32, #tpu.memory_space<hbm>>) dst(%arg16 : memref<80x128xf32, #tpu.memory_space<vmem>>)
      %add3A_476 = arith.constant 2 : i32
      %add3A_477 = arith.addi %mul3A_50, %add3A_476 : i32
      %add3A_478 = arith.constant 1 : i32
      %add3A_479 = arith.addi %add3A_477, %add3A_478 : i32
      %min3A_480 = arith.constant 124 : i32
      %min3A_481 = arith.minsi %add3A_479, %min3A_480 : i32
      %mul3A_482 = arith.constant 80 : i32
      %mul3A_483 = arith.muli %min3A_481, %mul3A_482 : i32
      %dma_start3A_484 = tpu.memref_slice %arg9[%mul3A_483] : memref<10000xi32, #tpu.memory_space<vmem>> -> memref<80xi32, #tpu.memory_space<vmem>>
      %dma_start3A_485 = arith.constant 0 : i32
      %dma_start3A_486 = arith.constant 0 : i32
      %dma_start3A_487 = tpu.memref_slice %arg4[%dma_start3A_485, %dma_start3A_486] : memref<10000x128xf32, #tpu.memory_space<hbm>> -> memref<10000x128xf32, #tpu.memory_space<hbm>>
      tpu.enqueue_indirect_dma source(%dma_start3A_487 : memref<10000x128xf32, #tpu.memory_space<hbm>>) target(%arg16 : memref<80x128xf32, #tpu.memory_space<vmem>>) offsets(%dma_start3A_484 : memref<80xi32, #tpu.memory_space<vmem>>) semaphore(%arg18 : memref<!tpu.dma_semaphore, #tpu.memory_space<semaphore_mem>>)
      %scan3A_488 = arith.constant 0 : i32
      scf.yield %scan3A_488 : i32
    }
    %scan3A_26 = arith.constant 63 : i32
    %dma_wait3A = arith.constant 0 : i32
    %dma_wait3A_27 = arith.constant 0 : i32
    %dma_wait3A_28 = tpu.memref_slice %arg4[%dma_wait3A, %dma_wait3A_27] : memref<10000x128xf32, #tpu.memory_space<hbm>> -> memref<80x128xf32, #tpu.memory_space<hbm>>
    %dma_wait3A_29 = arith.constant 0 : i32
    %dma_wait3A_30 = arith.constant 0 : i32
    %dma_wait3A_31 = tpu.memref_slice %arg4[%dma_wait3A_29, %dma_wait3A_30] : memref<10000x128xf32, #tpu.memory_space<hbm>> -> memref<80x128xf32, #tpu.memory_space<hbm>>
    tpu.wait_dma2 semaphore(%arg17 : memref<!tpu.dma_semaphore, #tpu.memory_space<semaphore_mem>>) src(%dma_wait3A_31 : memref<80x128xf32, #tpu.memory_space<hbm>>) dst(%arg15 : memref<80x128xf32, #tpu.memory_space<vmem>>)
    %dma_wait3A_32 = arith.constant 0 : i32
    %dma_wait3A_33 = arith.constant 0 : i32
    %dma_wait3A_34 = tpu.memref_slice %arg4[%dma_wait3A_32, %dma_wait3A_33] : memref<10000x128xf32, #tpu.memory_space<hbm>> -> memref<80x128xf32, #tpu.memory_space<hbm>>
    %dma_wait3A_35 = arith.constant 0 : i32
    %dma_wait3A_36 = arith.constant 0 : i32
    %dma_wait3A_37 = tpu.memref_slice %arg4[%dma_wait3A_35, %dma_wait3A_36] : memref<10000x128xf32, #tpu.memory_space<hbm>> -> memref<80x128xf32, #tpu.memory_space<hbm>>
    tpu.wait_dma2 semaphore(%arg18 : memref<!tpu.dma_semaphore, #tpu.memory_space<semaphore_mem>>) src(%dma_wait3A_37 : memref<80x128xf32, #tpu.memory_space<hbm>>) dst(%arg16 : memref<80x128xf32, #tpu.memory_space<vmem>>)
    %barrier3A_38 = arith.constant 0 : index
    tpu.barrier barrier_id(%barrier3A_38)
    %mul3A_39 = arith.constant 320 : i32
    %mul3A_40 = arith.muli %arg1, %mul3A_39 : i32
    %add3A_41 = arith.constant 64 : i32
    %add3A_42 = arith.addi %add3A_41, %mul3A_40 : i32
    "tpu.region"() ({
      %run_scoped3A = tpu.sem_alloc : memref<!tpu.dma_semaphore, #tpu.memory_space<semaphore_mem>>
      %dma_start3A_47 = arith.constant 0 : i32
      %dma_start3A_48 = tpu.memref_slice %arg6[%arg0, %mul3A_40, %dma_start3A_47] : memref<2x10240x128xf32, #tpu.memory_space<hbm>> -> memref<1x320x128xf32, #tpu.memory_space<hbm>>
      %dma_start3A_49 = tpu.memref_squeeze %dma_start3A_48 : memref<1x320x128xf32, #tpu.memory_space<hbm>> -> memref<320x128xf32, #tpu.memory_space<hbm>>
      %dma_start3A_50 = arith.constant 0 : i32
      %dma_start3A_51 = tpu.memref_slice %arg7[%add3A_42, %dma_start3A_50] : memref<5248x128xf32, #tpu.memory_space<vmem_shared>> -> memref<320x128xf32, #tpu.memory_space<vmem_shared>>
      tpu.enqueue_dma source(%dma_start3A_51 : memref<320x128xf32, #tpu.memory_space<vmem_shared>>) target(%dma_start3A_49 : memref<320x128xf32, #tpu.memory_space<hbm>>) target_semaphore(%run_scoped3A : memref<!tpu.dma_semaphore, #tpu.memory_space<semaphore_mem>>)
      %dma_wait3A_52 = arith.constant 0 : i32
      %dma_wait3A_53 = tpu.memref_slice %arg6[%arg0, %mul3A_40, %dma_wait3A_52] : memref<2x10240x128xf32, #tpu.memory_space<hbm>> -> memref<1x320x128xf32, #tpu.memory_space<hbm>>
      %dma_wait3A_54 = tpu.memref_squeeze %dma_wait3A_53 : memref<1x320x128xf32, #tpu.memory_space<hbm>> -> memref<320x128xf32, #tpu.memory_space<hbm>>
      %dma_wait3A_55 = arith.constant 0 : i32
      %dma_wait3A_56 = tpu.memref_slice %arg7[%add3A_42, %dma_wait3A_55] : memref<5248x128xf32, #tpu.memory_space<vmem_shared>> -> memref<320x128xf32, #tpu.memory_space<vmem_shared>>
      tpu.wait_dma2 semaphore(%run_scoped3A : memref<!tpu.dma_semaphore, #tpu.memory_space<semaphore_mem>>) src(%dma_wait3A_56 : memref<320x128xf32, #tpu.memory_space<vmem_shared>>) dst(%dma_wait3A_54 : memref<320x128xf32, #tpu.memory_space<hbm>>)
      tpu.yield
    }) : () -> ()
    %add3A_43 = arith.constant 64 : i32
    %add3A_44 = arith.addi %add3A_43, %mul3A_40 : i32
    %add3A_45 = arith.constant 5120 : i32
    %add3A_46 = arith.addi %add3A_45, %mul3A_40 : i32
    "tpu.region"() ({
      %run_scoped3A = tpu.sem_alloc : memref<!tpu.dma_semaphore, #tpu.memory_space<semaphore_mem>>
      %dma_start3A_47 = arith.constant 0 : i32
      %dma_start3A_48 = tpu.memref_slice %arg6[%arg0, %add3A_46, %dma_start3A_47] : memref<2x10240x128xf32, #tpu.memory_space<hbm>> -> memref<1x320x128xf32, #tpu.memory_space<hbm>>
      %dma_start3A_49 = tpu.memref_squeeze %dma_start3A_48 : memref<1x320x128xf32, #tpu.memory_space<hbm>> -> memref<320x128xf32, #tpu.memory_space<hbm>>
      %dma_start3A_50 = arith.constant 0 : i32
      %dma_start3A_51 = tpu.memref_slice %arg8[%add3A_44, %dma_start3A_50] : memref<5248x128xf32, #tpu.memory_space<vmem_shared>> -> memref<320x128xf32, #tpu.memory_space<vmem_shared>>
      tpu.enqueue_dma source(%dma_start3A_51 : memref<320x128xf32, #tpu.memory_space<vmem_shared>>) target(%dma_start3A_49 : memref<320x128xf32, #tpu.memory_space<hbm>>) target_semaphore(%run_scoped3A : memref<!tpu.dma_semaphore, #tpu.memory_space<semaphore_mem>>)
      %dma_wait3A_52 = arith.constant 0 : i32
      %dma_wait3A_53 = tpu.memref_slice %arg6[%arg0, %add3A_46, %dma_wait3A_52] : memref<2x10240x128xf32, #tpu.memory_space<hbm>> -> memref<1x320x128xf32, #tpu.memory_space<hbm>>
      %dma_wait3A_54 = tpu.memref_squeeze %dma_wait3A_53 : memref<1x320x128xf32, #tpu.memory_space<hbm>> -> memref<320x128xf32, #tpu.memory_space<hbm>>
      %dma_wait3A_55 = arith.constant 0 : i32
      %dma_wait3A_56 = tpu.memref_slice %arg8[%add3A_44, %dma_wait3A_55] : memref<5248x128xf32, #tpu.memory_space<vmem_shared>> -> memref<320x128xf32, #tpu.memory_space<vmem_shared>>
      tpu.wait_dma2 semaphore(%run_scoped3A : memref<!tpu.dma_semaphore, #tpu.memory_space<semaphore_mem>>) src(%dma_wait3A_56 : memref<320x128xf32, #tpu.memory_space<vmem_shared>>) dst(%dma_wait3A_54 : memref<320x128xf32, #tpu.memory_space<hbm>>)
      tpu.yield
    }) : () -> ()
    return
  }
}

module attributes {stable_mosaic.version = 14 : i64} {
  func.func @_tc_linear_body(%arg0: i32, %arg1: memref<2x2048x128xf32, #tpu.memory_space<vmem>>, %arg2: memref<128x128xf32, #tpu.memory_space<vmem>>, %arg3: memref<1x128xf32, #tpu.memory_space<vmem>>, %arg4: memref<2048x128xf32, #tpu.memory_space<vmem>>) attributes {dimension_semantics = [#tpu.dimension_semantics<arbitrary>], iteration_bounds = array<i64: 5>, scalar_prefetch = 0 : i64, scratch_operands = 0 : i64, tpu.core_type = #tpu.core_type<tc>, window_params = [{transform_indices = @transform_0, window_bounds = array<i64: 2, 2048, 128>}, {pipeline_mode = #tpu.pipeline_mode<synchronous>, transform_indices = @transform_1, window_bounds = array<i64: 128, 128>}, {pipeline_mode = #tpu.pipeline_mode<synchronous>, transform_indices = @transform_2, window_bounds = array<i64: 1, 128>}, {transform_indices = @transform_3, window_bounds = array<i64: 2048, 128>}]} {
    %get3A = arith.constant 0 : index
    %get3A_0 = arith.constant 0 : index
    %get3A_1 = arith.constant 0 : index
    %get3A_2 = vector.load %arg1[%get3A, %get3A_0, %get3A_1] : memref<2x2048x128xf32, #tpu.memory_space<vmem>>, vector<1x2048x128xf32>
    %get3A_3 = vector.shape_cast %get3A_2 : vector<1x2048x128xf32> to vector<2048x128xf32>
    %get3A_4 = arith.constant 1 : index
    %get3A_5 = arith.constant 0 : index
    %get3A_6 = arith.constant 0 : index
    %get3A_7 = vector.load %arg1[%get3A_4, %get3A_5, %get3A_6] : memref<2x2048x128xf32, #tpu.memory_space<vmem>>, vector<1x2048x128xf32>
    %get3A_8 = vector.shape_cast %get3A_7 : vector<1x2048x128xf32> to vector<2048x128xf32>
    %add3A = arith.addf %get3A_3, %get3A_8 : vector<2048x128xf32>
    %get3A_9 = arith.constant 0 : index
    %get3A_10 = arith.constant 0 : index
    %get3A_11 = vector.load %arg2[%get3A_9, %get3A_10] : memref<128x128xf32, #tpu.memory_space<vmem>>, vector<128x128xf32>
    %dot_general3A = arith.constant dense<0.000000e+00> : vector<2048x128xf32>
    %dot_general3A_12 = tpu.matmul %add3A, %get3A_11, %dot_general3A {dimension_numbers = #tpu.dot_dimension_numbers<[1], [1], [0], [0], [0, 0, 1, 0], [], []>, transpose_lhs_hint = false} : vector<2048x128xf32>, vector<128x128xf32>, vector<2048x128xf32> -> vector<2048x128xf32>
    %get3A_13 = arith.constant 0 : index
    %get3A_14 = arith.constant 0 : index
    %get3A_15 = vector.load %arg3[%get3A_13, %get3A_14] : memref<1x128xf32, #tpu.memory_space<vmem>>, vector<1x128xf32>
    %add3A_16 = vector.broadcast %get3A_15 : vector<1x128xf32> to vector<2048x128xf32>
    %add3A_17 = arith.addf %dot_general3A_12, %add3A_16 : vector<2048x128xf32>
    %swap3A = arith.constant 0 : index
    %swap3A_18 = arith.constant 0 : index
    %swap3A_19 = vector.load %arg4[%swap3A, %swap3A_18] : memref<2048x128xf32, #tpu.memory_space<vmem>>, vector<2048x128xf32>
    tpu.vector_store %arg4[%swap3A, %swap3A_18], %add3A_17 {strides = array<i32>} : memref<2048x128xf32, #tpu.memory_space<vmem>>, vector<2048x128xf32>,
    return
  }
  func.func @transform_0(%arg0: i32) -> (i32, i32, i32) {
    %c0_i32 = arith.constant 0 : i32
    %c0_i32_0 = arith.constant 0 : i32
    %c0_i32_1 = arith.constant 0 : i32
    return %c0_i32, %arg0, %c0_i32_0 : i32, i32, i32
  }
  func.func @transform_1(%arg0: i32) -> (i32, i32) {
    %c0_i32 = arith.constant 0 : i32
    %c0_i32_0 = arith.constant 0 : i32
    %c0_i32_1 = arith.constant 0 : i32
    return %c0_i32, %c0_i32_0 : i32, i32
  }
  func.func @transform_2(%arg0: i32) -> (i32, i32) {
    %c0_i32 = arith.constant 0 : i32
    %c0_i32_0 = arith.constant 0 : i32
    %c0_i32_1 = arith.constant 0 : i32
    return %c0_i32, %c0_i32_0 : i32, i32
  }
  func.func @transform_3(%arg0: i32) -> (i32, i32) {
    %c0_i32 = arith.constant 0 : i32
    %c0_i32_0 = arith.constant 0 : i32
    return %arg0, %c0_i32 : i32, i32
  }
}

</mosaic_0001>

<sc_bundles>
// kernel: kernel.4.cloned.1.call-start
scs
__scs_entry_jumppad:
0x0: {  	(pc) =	sbr.rel $0x88, $3  }
0x1: {  	(tag) =	ssettag $0x0;
	lr =	simm.s32 $0x1  }
0x2: {  	[smem:$0x3F9D] =	sst lr;
	_ =	strace $0xD0000000  }
0x3: {  	_ = 	snop  }
0x4: {  	_ = 	snop  }
0x5: {  	_ = 	snop  }
0x6: {  	_ = 	snop  }
0x7: {  	_ = 	snop  }
__scs_overlays_trampoline_lowered:
0x8: {  	[smem:$0x3FAC] =	sst s0  }
0x9: {  	[smem:$0x3FAD] =	sst s1  }
0xa: {  	[smem:$0x3FAE] =	sst s2  }
0xb: {  	[smem:$0x3FAF] =	sst s3  }
0xc: {  	[smem:$0x3FB0] =	sst s4  }
0xd: {  	[smem:$0x3FB1] =	sst s5  }
0xe: {  	[smem:$0x3FB2] =	sst s6  }
0xf: {  	[smem:$0x3FB3] =	sst s7  }
0x10: {  	[smem:$0x3FB4] =	sst s8  }
0x11: {  	[smem:$0x3FB5] =	sst s9;
	s0 =	simm.s32 @!p0 $0x0  }
0x12: {  	s1 =	sld [smem:$0x3F9B];
	s0 =	simm.s32 @p0 $0x1  }
0x13: {  	[smem:$0x3FB6] =	sst s0;
	s0 =	simm.s32 @!p1 $0x0  }
0x14: {  	s2 =	sld [smem:$0x3F9A];
	s0 =	simm.s32 @p1 $0x1  }
0x15: {  	[smem:$0x3FB7] =	sst s0;
	s0 =	simm.s32 @!p2 $0x0  }
0x16: {  	s3 =	sld [smem:$0x3FDB];
	s0 =	simm.s32 @p2 $0x1  }
0x17: {  	s4 =	simm.s32 $0x1BF5;
	[smem:$0x3FB9] =	sst s0  }
0x18: {  	s0 =	sld [smem:$0x3F9C];
	_ =	swait.ge [sflag:s4], $0x0  }
0x19: {  	s7 =	sld [smem:$0x3F9D]  }
0x1a: {  	s8 =	sadd.s32 $0xFFFFE003, lr  }
0x1b: {  	s9 =	sadd.s32 $0xFFFFFEF7, lr;
	s5 =	simm.s32 $0xFFFFFFFF;
	p2 =	slt.u32 s8, $0xFFFFF086  }
0x1c: {  	p1 =	slt.u32 s9, $0xF7A;
	s5 =	simm.s32 @!p2 $0x0  }
0x1d: {  	s5 =	simm.s32 @p1 $0x1;
	p0 =	seq.s32 s7, s2  }
0x1e: {  	s7 =	smul.u32 @!p0 $0xF7A, s2;
	p2 =	seq.s32 @!p0 s5, $0x0  }
0x1f: {  	s9 =	smul.u32 $0xF7A, s1;
	s8 =	simm.s32 @!p0 $0x1BF5;
	p2 =	por !p2, p0  }
0x20: {  	[sflag:s8] =	ssyncset.s32 @!p0 $0xFFFFF086;
	s6 =	sadd.s32 @!p0 s3, s7;
	s7 =	simm.s32 @!p0 $0x108  }
0x21: {  	s3 =	sadd.s32 s3, s9;
	s6 =	sadd.s32 @!p0 $0x88, s6;
	s7 =	simm.s32 @p2 $0x1082  }
0x22: {  	[simem:s7], [sflag:s8] =	dma.local @!p0 [hbm:s6], $0xF7A  }
0x23: {  	s9 =	sor.u32 $0xD0000000, s2;
	s6 =	simm.s32 $0x108;
	_ =	swait.ge @!p0 [sflag:s8], $0x0  }
0x24: {  	s3 =	sadd.s32 $0x88, s3;
	s6 =	simm.s32 @!p1 $0x1082;
	[sflag:s4] =	ssyncset.s32 $0xFFFFF086  }
0x25: {  	[simem:s6], [sflag:s4] =	dma.local [hbm:s3], $0xF7A  }
0x26: {  	[smem:$0x3F9D] =	sst s1;
	(tag) =	ssettag s2;
	_ =	strace s9  }
0x27: {  	s1 =	sld [smem:$0x3FAD]  }
0x28: {  	s2 =	sld [smem:$0x3FAE]  }
0x29: {  	s4 =	sld [smem:$0x3FB0]  }
0x2a: {  	p0 =	seq.s32 s5, $0x0;
	s5 =	sld [smem:$0x3FB1]  }
0x2b: {  	s6 =	sld [smem:$0x3FB2]  }
0x2c: {  	s7 =	sld [smem:$0x3FB3]  }
0x2d: {  	s3 =	simm.s32 $0x108;
	s8 =	sld [smem:$0x3FB4]  }
0x2e: {  	s3 =	simm.s32 @!p0 $0x1082;
	s9 =	sld [smem:$0x3FB5]  }
0x2f: {  	lr =	sadd.s32 s0, s3;
	s0 =	sld [smem:$0x3FAC]  }
0x30: {  	s3 =	sld [smem:$0x3FAF]  }
0x31: {  	[smem:$0x3FB8] =	sst s10  }
0x32: {  	s10 =	sld [smem:$0x3FB6];
	_ =	sdelay $0x3  }
0x33: {  	p0 =	seq.s32 s10, $0x1;
	s10 =	sld [smem:$0x3FB8];
	_ =	sdelay $0x3  }
0x34: {  	[smem:$0x3FB8] =	sst s10  }
0x35: {  	s10 =	sld [smem:$0x3FB7];
	_ =	sdelay $0x3  }
0x36: {  	p1 =	seq.s32 s10, $0x1;
	s10 =	sld [smem:$0x3FB8];
	_ =	sdelay $0x3  }
0x37: {  	[smem:$0x3FB8] =	sst s10  }
0x38: {  	s10 =	sld [smem:$0x3FB9]  }
0x39: {  	_ = 	snop;
	(pc) =	sbr.ind lr, $3  }
0x3a: {  	_ = 	snop  }
0x3b: {  	_ = 	snop  }
0x3c: {  	p2 =	seq.s32 s10, $0x1;
	s10 =	sld [smem:$0x3FB8]  }
0x3d: {  	_ =	shalt  }
0x3e: {  	_ =	shalt  }
0x3f: {  	_ =	shalt  }
0x40: {  	_ =	shalt  }
0x41: {  	_ =	shalt  }
0x42: {  	_ =	shalt  }
0x43: {  	_ =	shalt  }
0x44: {  	_ =	shalt  }
0x45: {  	_ =	shalt  }
0x46: {  	_ =	shalt  }
0x47: {  	_ =	shalt  }
0x48: {  	_ =	shalt  }
0x49: {  	_ =	shalt  }
0x4a: {  	_ =	shalt  }
0x4b: {  	_ =	shalt  }
0x4c: {  	_ =	shalt  }
0x4d: {  	_ =	shalt  }
0x4e: {  	_ =	shalt  }
0x4f: {  	_ =	shalt  }
0x50: {  	_ =	shalt  }
0x51: {  	_ =	shalt  }
0x52: {  	_ =	shalt  }
0x53: {  	_ =	shalt  }
0x54: {  	_ =	shalt  }
0x55: {  	_ =	shalt  }
0x56: {  	_ =	shalt  }
0x57: {  	_ =	shalt  }
0x58: {  	_ =	shalt  }
0x59: {  	_ =	shalt  }
0x5a: {  	_ =	shalt  }
0x5b: {  	_ =	shalt  }
0x5c: {  	_ =	shalt  }
0x5d: {  	_ =	shalt  }
0x5e: {  	_ =	shalt  }
0x5f: {  	_ =	shalt  }
0x60: {  	_ =	shalt  }
0x61: {  	_ =	shalt  }
0x62: {  	_ =	shalt  }
0x63: {  	_ =	shalt  }
0x64: {  	_ =	shalt  }
0x65: {  	_ =	shalt  }
0x66: {  	_ =	shalt  }
0x67: {  	_ =	shalt  }
0x68: {  	_ =	shalt  }
0x69: {  	_ =	shalt  }
0x6a: {  	_ =	shalt  }
0x6b: {  	_ =	shalt  }
0x6c: {  	_ =	shalt  }
0x6d: {  	_ =	shalt  }
0x6e: {  	_ =	shalt  }
0x6f: {  	_ =	shalt  }
0x70: {  	_ =	shalt  }
0x71: {  	_ =	shalt  }
0x72: {  	_ =	shalt  }
0x73: {  	_ =	shalt  }
0x74: {  	_ =	shalt  }
0x75: {  	_ =	shalt  }
0x76: {  	_ =	shalt  }
0x77: {  	_ =	shalt  }
0x78: {  	_ =	shalt  }
0x79: {  	_ =	shalt  }
0x7a: {  	_ =	shalt  }
0x7b: {  	_ =	shalt  }
0x7c: {  	_ =	shalt  }
0x7d: {  	_ =	shalt  }
0x7e: {  	_ =	shalt  }
0x7f: {  	_ =	shalt  }
0x80: {  	_ =	shalt  }
0x81: {  	_ =	shalt  }
0x82: {  	_ =	shalt  }
0x83: {  	_ =	shalt  }
0x84: {  	_ =	shalt  }
0x85: {  	_ =	shalt  }
0x86: {  	_ =	shalt  }
0x87: {  	_ =	shalt  }
.Lfunc_end0:
.L_simem_size_0:
called_computation_lowered:
.L_overlay_start_0:
0x88: {  	s2 =	sld [smem:$0x3FD9]  }
0x89: {  	s3 =	sld [smem:$0x3FFE];
	_ =	sdelay $0x1  }
0x8a: {  	s1 =	srdreg.scid  }
0x8b: {  	s0 =	sand.u32 $0x1, s1  }
0x8c: {  	s17 =	sshll.u32 s0, $0xA;
	s2 =	sadd.s32 s3, s2  }
0x8d: {  	s2 =	sadd.s32 s2, s17  }
0x8e: {  	[smem:$0x3FC4] =	sst s2  }
0x8f: {  	_ = 	snop  }
0x90: {  	s2 =	sld [smem:$0x3FC9]  }
0x91: {  	s18 =	sld [smem:$0x3FD0];
	(tm) =	ssettm $0x1  }
0x92: {  	s4 =	sld [smem:$0x3FFB];
	_ =	sdelay $0x3  }
0x93: {  	_ =	strace s4  }
0x94: {  	s4 =	sld [smem:$0x3FFC];
	_ =	sdelay $0x3  }
0x95: {  	_ =	strace s4  }
0x96: {  	s4 =	sld [smem:$0x3FFD];
	_ =	sdelay $0x3  }
0x97: {  	_ =	strace s4  }
0x98: {  	_ =	strace $0x8FFFFFFF  }
0x99: {  	s19 =	sld [smem:$0x3FDB];
	_ =	sdelay $0x1  }
0x9a: {  	s5 =	simm.s32 $_scs_section_size  }
0x9b: {  	s6 =	simm.s32 $_size__tile_overlayer_lowered;
	s7 =	simm.s32 $_tile_overlayer_lowered  }
0x9c: {  	s22 =	simm.s32 $0x1BFF;
	s21 =	sshll.u32 s7, $0x1;
	s4 =	sadd.s32 s5, s19  }
0x9d: {  	s8 =	simm.s32 $0x0;
	s20 =	sshll.u32 s6, $0x1;
	s6 =	sadd.s32 s21, s4  }
0x9e: {  	[timem:s8], [sflag:s22] =	dma.local [hbm:s6], s20  }
0x9f: {  	_ =	swait.ge [sflag:s22], s20  }
0xa0: {  	s5 =	ssub.s32 $0x0, s20;
	[sflag:s22] =	ssyncset.done $0x0  }
0xa1: {  	[sflag:s22] =	ssyncadd.s32 s5;
	_ =	sdelay $0x1  }
0xa2: {  	s23 =	simm.s32 $0x1B8B  }
0xa3: {  	_ =	swait.ge [sflag:s23], $0x1  }
0xa4: {  	[sflag:s23] =	ssyncset.done $0x0  }
0xa5: {  	s25 =	simm.s32 $0x1B8E;
	s24 =	sld [smem:$0x3FFE];
	[sflag:s23] =	ssyncadd.s32 $0xFFFFFFFF  }
0xa6: {  	s26 =	simm.s32 $execute0_lowered;
	[smem:$0x3FD2] =	sst s25  }
0xa7: {  	s6 =	sshll.u32 s26, $0x1;
	_ =	strace $0x80000046;
	[dreg:$0x1] =	wrdreg $0xFFFFFFFF  }
0xa8: {  	s28 =	simm.s32 $_size_execute0_lowered;
	s4 =	sadd.s32 s4, s6;
	[dreg:$0x0] =	wrdreg $0x0  }
0xa9: {  	s6 =	sshll.u32 s28, $0x1;
	[dreg:$0x2] =	wrdreg s4  }
0xaa: {  	[dreg:$0x3] =	wrdreg s6  }
0xab: {  	[dreg:$0x4] =	wrdreg $0xC0  }
0xac: {  	_ =	task [dreg:s8], $0x5FFFF  }
0xad: {  	[dreg:$0x1] =	wrdreg $0xFFFFFFFF  }
0xae: {  	[dreg:$0x0] =	wrdreg $0x60  }
0xaf: {  	[dreg:$0x2] =	wrdreg s24  }
0xb0: {  	[dreg:$0x3] =	wrdreg s2  }
0xb1: {  	[dreg:$0x4] =	wrdreg s18  }
0xb2: {  	[dreg:$0x5] =	wrdreg $0x0  }
0xb3: {  	[dreg:$0x6] =	wrdreg $0xA4000  }
0xb4: {  	[dreg:$0x7] =	wrdreg $0x9  }
0xb5: {  	_ =	task.clear_ibuf [dreg:s8], $0x8FFFF;
	_ =	strace $0x90000046  }
0xb6: {  	s29 =	simm.s32 $0x9;
	_ =	strace $0x80000048  }
0xb7: {  	_ =	swait.ge [sflag:s29], $0x1  }
0xb8: {  	[sflag:s29] =	ssyncadd.s32 $0xFFFFFFFF  }
0xb9: {  	_ =	strace $0x90000048  }
0xba: {  	_ =	sfence  }
0xbb: {  	s30 =	sld [smem:$0x0];
	_ =	sdelay $0x2  }
0xbc: {  	s31 =	sshll.u32 s1, $0xD;
	s1 =	sshrl.u32 s1, $0x2  }
0xbd: {  	s3 =	sand.u32 $0x4000, s31;
	s1 =	sadd.s32 s1, s30  }
0xbe: {  	s0 =	sor.u32 s3, s0;
	s1 =	sshll.u32 s1, $0x11  }
0xbf: {  	s0 =	sor.u32 s1, s0  }
0xc0: {  	s0 =	sadd.s32 $0x8F2B, s0  }
0xc1: {  	[sflag:s0] =	ssyncadd.remote.s32 $0x1  }
0xc2: {  	_ =	sfence.sel $0xFFFF  }
0xc3: {  	[dreg:$0x0] =	wrdreg $0xFFFFFFFF;
	(pc) =	sbr.abs _section_cstart, $3  }
0xc4: {  	[dreg:$0x1] =	wrdreg $0xFFFFFFFF  }
0xc5: {  	_ =	task.clear_ibuf [dreg:s8], $0x2FFFF;
	_ =	strace $0x9FFFFFFF  }
0xc6: {  	(tm) =	ssettm $0x7FFFFFFF  }
0xc7: {  	_ =	shalt  }
tec
execute0_lowered:
.L_overlay_start_1:
0x0: {  	(tag) =	ssettag $0x1  }
0x1: {  	s0 =	rddreg [dreg:$0x0]  }
0x2: {  	s1 =	rddreg [dreg:$0x1]  }
0x3: {  	s2 =	srdreg.scid;
	s5 =	rddreg [dreg:$0x2]  }
0x4: {  	s15 =	stileid.u32;
	s3 =	rddreg [dreg:$0x3];
	s8 =	simm.s32 $0x0  }
0x5: {  	s12 =	simm.s32 $0x14800;
	s13 =	simm.s32 $0x5;
	s18 =	simm.s32 $0x50  }
0x6: {  	s28 =	simm.s32 $0x2;
	s29 =	simm.s32 $0x19780;
	s30 =	simm.s32 $0x19880  }
0x7: {  	s31 =	simm.s32 $0x3;
	s2 =	sand.u32 $0x1, s2;
	s9 =	smul.u32 $0xA000, s15  }
0x8: {  	s4 =	sshll.u32 s15, $0x1;
	[smem:$0x7FF] =	sst s8;
	s10 =	smul.u32 $0xA400, s15  }
0x9: {  	s20 =	smul.u32 $0x1480, s15;
	s26 =	sshll.u32 s15, $0x6;
	s6 =	sor.u32 s2, s4  }
0xa: {  	s4 =	rddreg [dreg:$0x4];
	s7 =	smul.u32 $0x140000, s2;
	_ =	strace $0x80000047  }
0xb: {  	s2 =	ssub.s32 $0x2, s2;
	s15 =	sor.u32 $0x1C05, s26;
	s26 =	simm.s32 $0x19800  }
0xc: {  	s6 =	smul.u32 $0x4E2, s6;
	s19 =	sshrl.u32 s2, $0x1;
	s22 =	sadd.s32 s10, s3  }
0xd: {  	s8 =	sadd.s32 s5, s20;
	s23 =	sadd.s32 s10, s4;
	s24 =	sadd.s32 $0x2000, s9  }
0xe: {  	s7 =	sadd.s32 s9, s7;
	s2 =	ssub.s32 s2, s19;
	s14 =	sadd.s32 s24, s3  }
0xf: {  	s25 =	sadd.s32 s24, s4;
	s16 =	sshrl.u32 s22, $0x3;
	s17 =	sshrl.u32 s23, $0x3  }
0x10: {  	s19 =	simm.s32 $0x19900;
	s22 =	simm.s32 $0x1;
	s23 =	simm.s32 $0x19700  }
0x11: {  	s6 =	sadd.s32 s6, s0;
	s7 =	sshrl.u32 s7, $0x3;
	s11 =	smax.u32 s2, $0x1  }
0x12: {  	s24 =	sshrl.u32 s14, $0x3;
	s25 =	sshrl.u32 s25, $0x3;
	s21 =	sadd.s32 $0xA000, s6  }
0x13: {  	s0 =	sadd.s32 s7, s0;
	s6 =	sadd.s32 $0x200, s6;
	[dreg:$0x6] =	wrdreg s21  }
0x14: {  	v0 =	vlaneseq.u32;
	s2 =	simm.s32 $0x4;
	[dreg:$0x7] =	wrdreg s6;
	s9 =	sadd.s32 $0x13E00, s0  }
0x15: {  	v1 =	vor.u32 $0x10, v0;
	v2 =	vor.u32 $0x20, v0;
	v3 =	vor.u32 $0x30, v0;
	s10 =	sadd.s32 $0x27E00, s0;
	s21 =	simm.s32 $0x1C100;
	s0 =	simm.s32 $0x0  }
.LBB2_1:
0x16: {  	s5 =	simm.s32 $0x0;
	s6 =	rddreg [dreg:$0x6]  }
0x17: {  	[tilespmem:s12], [sflag:$0x5] =	stream.linear.gather [hbm4b:s6+s5], $0x2710, $0x38;
	[tilespmem:$0x1E900] =	vst v63  }
0x18: {  	_ =	swait.ge [sflag:s13], $0x2710  }
0x19: {  	[sflag:s13] =	ssyncset.done $0x0  }
0x1a: {  	s7 =	simm.s32 $0x16F80;
	s14 =	rddreg [dreg:$0x7];
	[sflag:s13] =	ssyncadd.s32 $0xFFFFD8F0  }
0x1b: {  	[tilespmem:s7], [sflag:$0x5] =	stream.linear.gather [hbm4b:s14+s5], $0x2710, $0x38;
	[tilespmem:$0x1E900] =	vst v63  }
0x1c: {  	_ =	swait.ge [sflag:s13], $0x2710  }
0x1d: {  	[sflag:s13] =	ssyncset.done $0x0  }
0x1e: {  	[sflag:s13] =	ssyncadd.s32 $0xFFFFD8F0  }
0x1f: {  	[spmem:s16], [sflag:s15] =	dma.local [hbm:s8], $0x1480  }
0x20: {  	_ =	swait.ge [sflag:s13], $0x1480  }
0x21: {  	[sflag:s13] =	ssyncset.done $0x0  }
0x22: {  	[sflag:s13] =	ssyncadd.s32 $0xFFFFEB80  }
0x23: {  	[spmem:s17], [sflag:s15] =	dma.local [hbm:s8], $0x1480  }
0x24: {  	_ =	swait.ge [sflag:s13], $0x1480  }
0x25: {  	[sflag:s13] =	ssyncset.done $0x0  }
0x26: {  	[sflag:s13] =	ssyncadd.s32 $0xFFFFEB80  }
0x27: {  	[bflag:$0x0] =	sbarrier.arrive $0xFFFF  }
0x28: {  	[tilespmem:s19], [sflag:$0x1] =	stream.indirect.gather [hbm4b:s1+s18], $0x80, s12, s18, $0xb8;
	[tilespmem:$0x1E900] =	vst v63  }
0x29: {  	s20 =	simm.s32 $0x14850;
	s14 =	simm.s32 $0x16FA0  }
0x2a: {  	[tilespmem:s21], [sflag:$0x2] =	stream.indirect.gather [hbm4b:s1+s18], $0x80, s20, s18, $0xb8;
	[tilespmem:$0x1E900] =	vst v63  }
0x2b: {  	v4 =	vld [tilespmem:s14+$0xFFFFFFE0];
	_ =	sdelay $0x4  }
0x2c: {  	vm0 =	vlt.s32 v4, $0x1400;
	v5 =	vadd.s32 $0x40, v4  }
0x2d: {  	v4 =	vadd.s32 $0xFFFFEC40, v4;
	v5 =	vsel vm0, v5, v0  }
0x2e: {  	v4 =	vsel vm0, v0, v4;
	[tilespmem:$0x19700] =	vst v5  }
0x2f: {  	[tilespmem:$0x19800] =	vst v4  }
0x30: {  	v4 =	vld [tilespmem:s14+$0xFFFFFFF0];
	_ =	sdelay $0x4  }
0x31: {  	vm7 =	vlt.s32 v4, $0x1400;
	v5 =	vadd.s32 $0x40, v4  }
0x32: {  	v4 =	vadd.s32 $0xFFFFEC40, v4;
	v5 =	vsel vm7, v5, v1  }
0x33: {  	v4 =	vsel vm7, v1, v4;
	[tilespmem:$0x19710] =	vst v5  }
0x34: {  	[tilespmem:$0x19810] =	vst v4  }
0x35: {  	v4 =	vld [tilespmem:s14+$0x0];
	_ =	sdelay $0x4  }
0x36: {  	vm8 =	vlt.s32 v4, $0x1400;
	v5 =	vadd.s32 $0x40, v4  }
0x37: {  	v4 =	vadd.s32 $0xFFFFEC40, v4;
	v5 =	vsel vm8, v5, v2  }
0x38: {  	v4 =	vsel vm8, v2, v4;
	[tilespmem:$0x19720] =	vst v5  }
0x39: {  	[tilespmem:$0x19820] =	vst v4  }
0x3a: {  	v4 =	vld [tilespmem:s14+$0x10];
	_ =	sdelay $0x4  }
0x3b: {  	vm9 =	vlt.s32 v4, $0x1400;
	v5 =	vadd.s32 $0x40, v4  }
0x3c: {  	v4 =	vadd.s32 $0xFFFFEC40, v4;
	v5 =	vsel vm9, v5, v3  }
0x3d: {  	v4 =	vsel vm9, v3, v4;
	[tilespmem:$0x19730] =	vst v5  }
0x3e: {  	[tilespmem:$0x19830] =	vst v4  }
0x3f: {  	v4 =	vld [tilespmem:s14+$0x20];
	_ =	sdelay $0x4  }
0x40: {  	s6 =	smin.u32 s22, $0x7C;
	vm10 =	vlt.s32 v4, $0x1400;
	v5 =	vadd.s32 $0x40, v4  }
0x41: {  	s5 =	smul.u32 $0x140, s6;
	v4 =	vadd.s32 $0xFFFFEC40, v4;
	v5 =	vsel vm10, v5, v0  }
0x42: {  	v4 =	vsel vm10, v0, v4;
	[tilespmem:$0x19740] =	vst v5  }
0x43: {  	s5 =	sshrl.u32 s5, $0x2;
	[tilespmem:$0x19840] =	vst v4  }
0x44: {  	v4 =	vld [tilespmem:s5+$0x16F80];
	_ =	sdelay $0x4  }
0x45: {  	p0 =	por $0x1, $0x1;
	s6 =	simm.s32 $0x1;
	vm11 =	vlt.s32 v4, $0x1400;
	v5 =	vadd.s32 $0x40, v4  }
0x46: {  	s6 =	simm.s32 @!p0 $0x0;
	v4 =	vadd.s32 $0xFFFFEC40, v4;
	v5 =	vsel vm11, v5, v0  }
0x47: {  	v4 =	vsel vm11, v0, v4;
	v5 =	vmul.u32 s6, v5  }
0x48: {  	v4 =	vmul.u32 s6, v4  }
0x49: {  	[tilespmem:$0x19780] =	vst v5  }
0x4a: {  	[tilespmem:$0x19880] =	vst v4  }
0x4b: {  	v4 =	vld [tilespmem:s5+$0x16F90];
	_ =	sdelay $0x4  }
0x4c: {  	vm12 =	vlt.s32 v4, $0x1400;
	v5 =	vadd.s32 $0x40, v4  }
0x4d: {  	v4 =	vadd.s32 $0xFFFFEC40, v4;
	v5 =	vsel vm12, v5, v1  }
0x4e: {  	v4 =	vsel vm12, v1, v4;
	v5 =	vmul.u32 s6, v5  }
0x4f: {  	v4 =	vmul.u32 s6, v4  }
0x50: {  	[tilespmem:$0x19790] =	vst v5  }
0x51: {  	[tilespmem:$0x19890] =	vst v4  }
0x52: {  	v4 =	vld [tilespmem:s5+$0x16FA0];
	_ =	sdelay $0x4  }
0x53: {  	vm13 =	vlt.s32 v4, $0x1400;
	v5 =	vadd.s32 $0x40, v4  }
0x54: {  	v4 =	vadd.s32 $0xFFFFEC40, v4;
	v5 =	vsel vm13, v5, v2  }
0x55: {  	v4 =	vsel vm13, v2, v4;
	v5 =	vmul.u32 s6, v5  }
0x56: {  	v4 =	vmul.u32 s6, v4  }
0x57: {  	[tilespmem:$0x197A0] =	vst v5  }
0x58: {  	[tilespmem:$0x198A0] =	vst v4  }
0x59: {  	v4 =	vld [tilespmem:s5+$0x16FB0];
	_ =	sdelay $0x4  }
0x5a: {  	vm14 =	vlt.s32 v4, $0x1400;
	v5 =	vadd.s32 $0x40, v4  }
0x5b: {  	v4 =	vadd.s32 $0xFFFFEC40, v4;
	v5 =	vsel vm14, v5, v3  }
0x5c: {  	v4 =	vsel vm14, v3, v4;
	v5 =	vmul.u32 s6, v5  }
0x5d: {  	v4 =	vmul.u32 s6, v4  }
0x5e: {  	[tilespmem:$0x197B0] =	vst v5  }
0x5f: {  	[tilespmem:$0x198B0] =	vst v4  }
0x60: {  	v4 =	vld [tilespmem:s5+$0x16FC0];
	_ =	sdelay $0x4  }
0x61: {  	vm15 =	vlt.s32 v4, $0x1400;
	v5 =	vadd.s32 $0x40, v4  }
0x62: {  	v4 =	vadd.s32 $0xFFFFEC40, v4;
	v5 =	vsel vm15, v5, v0  }
0x63: {  	v4 =	vsel vm15, v0, v4;
	v5 =	vmul.u32 s6, v5  }
0x64: {  	v4 =	vmul.u32 s6, v4  }
0x65: {  	[tilespmem:$0x197C0] =	vst v5  }
0x66: {  	[tilespmem:$0x198C0] =	vst v4  }
0x67: {  	_ =	swait.ge [sflag:s22], $0x2800  }
0x68: {  	[sflag:s22] =	ssyncset.done $0x0  }
0x69: {  	[sflag:s22] =	ssyncadd.s32 $0xFFFFD800  }
0x6a: {  	[spmem:s3] =	stream.indirect.scatter.add.f32 [tilespmem:s19], [sflag:$0x3], $0x80, s23, s18, $0xb8;
	[tilespmem:$0x1E900] =	vst v63  }
0x6b: {  	_ = 	snop  }
0x6c: {  	[spmem:s4] =	stream.indirect.scatter.add.f32 [tilespmem:s19], [sflag:$0x3], $0x80, s26, s18, $0xb8;
	[tilespmem:$0x1E900] =	vst v63  }
0x6d: {  	s7 =	simm.s32 $0x0;
	_ =	swait.ge [sflag:s28], $0x2800  }
0x6e: {  	s5 =	smin.u32 s7, $0x7A;
	[sflag:s28] =	ssyncset.done $0x0  }
0x6f: {  	s20 =	smin.u32 s7, $0x79;
	s5 =	smul.u32 $0x140, s5;
	[sflag:s28] =	ssyncadd.s32 $0xFFFFD800  }
0x70: {  	[spmem:s3] =	stream.indirect.scatter.add.f32 [tilespmem:s21], [sflag:$0x4], $0x80, s29, s18, $0xb8;
	[tilespmem:$0x1E900] =	vst v63  }
0x71: {  	s6 =	smul.u32 $0x140, s20  }
0x72: {  	[spmem:s4] =	stream.indirect.scatter.add.f32 [tilespmem:s21], [sflag:$0x4], $0x80, s30, s18, $0xb8;
	[tilespmem:$0x1E900] =	vst v63  }
0x73: {  	_ =	swait.ge [sflag:s31], $0x2800  }
0x74: {  	s7 =	sshrl.u32 s5, $0x2;
	s6 =	sshrl.u32 s6, $0x2;
	[sflag:s31] =	ssyncset.done $0x0  }
0x75: {  	s20 =	simm.s32 $0x3;
	s6 =	sadd.s32 $0x148F0, s6;
	[sflag:s31] =	ssyncadd.s32 $0xFFFFD800  }
.LBB2_2:
0x76: {  	p0 =	sne.s32 s20, $0x7D;
	_ =	swait.ge [sflag:s31], $0x2800;
	s14 =	sadd.s32 $0xA0, s14  }
0x77: {  	s5 =	smov.u32 s20;
	s20 =	sadd.s32 $0x2, s20;
	[sflag:s31] =	ssyncset.done $0x0  }
0x78: {  	s7 =	sadd.s32 $0x148A0, s7;
	[sflag:s31] =	ssyncadd.s32 $0xFFFFD800  }
0x79: {  	[tilespmem:s19], [sflag:$0x1] =	stream.indirect.gather [hbm4b:s1+s18], $0x80, s7, s18, $0xb8;
	[tilespmem:$0x1E900] =	vst v63  }
0x7a: {  	_ =	swait.ge [sflag:s2], $0x2800  }
0x7b: {  	[sflag:s2] =	ssyncset.done $0x0  }
0x7c: {  	[sflag:s2] =	ssyncadd.s32 $0xFFFFD800  }
0x7d: {  	_ =	swait.ge [sflag:s2], $0x2800  }
0x7e: {  	[sflag:s2] =	ssyncset.done $0x0  }
0x7f: {  	[sflag:s2] =	ssyncadd.s32 $0xFFFFD800  }
0x80: {  	[tilespmem:s21], [sflag:$0x2] =	stream.indirect.gather [hbm4b:s1+s18], $0x80, s6, s18, $0xb8;
	[tilespmem:$0x1E900] =	vst v63  }
0x81: {  	v4 =	vld [tilespmem:s14+$0xFFFFFFE0];
	_ =	sdelay $0x4  }
0x82: {  	vm0 =	vlt.s32 v4, $0x1400;
	v5 =	vadd.s32 $0x40, v4;
	v4 =	vadd.s32 $0xFFFFEC40, v4  }
0x83: {  	v5 =	vsel vm0, v5, v0;
	v4 =	vsel vm0, v0, v4  }
0x84: {  	[tilespmem:$0x19700] =	vst v5  }
0x85: {  	[tilespmem:$0x19800] =	vst v4  }
0x86: {  	v4 =	vld [tilespmem:s14+$0xFFFFFFF0];
	_ =	sdelay $0x4  }
0x87: {  	vm0 =	vlt.s32 v4, $0x1400;
	v5 =	vadd.s32 $0x40, v4;
	v4 =	vadd.s32 $0xFFFFEC40, v4  }
0x88: {  	v5 =	vsel vm0, v5, v1;
	v4 =	vsel vm0, v1, v4  }
0x89: {  	[tilespmem:$0x19710] =	vst v5  }
0x8a: {  	[tilespmem:$0x19810] =	vst v4  }
0x8b: {  	v4 =	vld [tilespmem:s14+$0x0];
	_ =	sdelay $0x4  }
0x8c: {  	vm0 =	vlt.s32 v4, $0x1400;
	v5 =	vadd.s32 $0x40, v4;
	v4 =	vadd.s32 $0xFFFFEC40, v4  }
0x8d: {  	v5 =	vsel vm0, v5, v2;
	v4 =	vsel vm0, v2, v4  }
0x8e: {  	[tilespmem:$0x19720] =	vst v5  }
0x8f: {  	[tilespmem:$0x19820] =	vst v4  }
0x90: {  	v4 =	vld [tilespmem:s14+$0x10];
	_ =	sdelay $0x4  }
0x91: {  	vm0 =	vlt.s32 v4, $0x1400;
	v5 =	vadd.s32 $0x40, v4;
	v4 =	vadd.s32 $0xFFFFEC40, v4  }
0x92: {  	v5 =	vsel vm0, v5, v3;
	v4 =	vsel vm0, v3, v4  }
0x93: {  	[tilespmem:$0x19730] =	vst v5  }
0x94: {  	[tilespmem:$0x19830] =	vst v4  }
0x95: {  	s6 =	smin.u32 s5, $0x7C;
	v4 =	vld [tilespmem:s14+$0x20]  }
0x96: {  	s6 =	smul.u32 $0x140, s6;
	_ =	sdelay $0x1  }
0x97: {  	s6 =	sshrl.u32 s6, $0x2;
	_ =	sdelay $0x1  }
0x98: {  	vm0 =	vlt.s32 v4, $0x1400;
	v5 =	vadd.s32 $0x40, v4;
	v4 =	vadd.s32 $0xFFFFEC40, v4  }
0x99: {  	v5 =	vsel vm0, v5, v0;
	v4 =	vsel vm0, v0, v4  }
0x9a: {  	[tilespmem:$0x19740] =	vst v5  }
0x9b: {  	[tilespmem:$0x19840] =	vst v4  }
0x9c: {  	p1 =	slt.u32 s5, $0x7D;
	s7 =	simm.s32 $0x1;
	v4 =	vld [tilespmem:s6+$0x16F80]  }
0x9d: {  	s7 =	simm.s32 @!p1 $0x0;
	_ =	sdelay $0x3  }
0x9e: {  	vm0 =	vlt.s32 v4, $0x1400;
	v5 =	vadd.s32 $0x40, v4;
	v4 =	vadd.s32 $0xFFFFEC40, v4  }
0x9f: {  	v5 =	vsel vm0, v5, v0;
	v4 =	vsel vm0, v0, v4  }
0xa0: {  	v5 =	vmul.u32 s7, v5;
	v4 =	vmul.u32 s7, v4;
	_ =	sdelay $0x1  }
0xa1: {  	[tilespmem:$0x19780] =	vst v5  }
0xa2: {  	[tilespmem:$0x19880] =	vst v4  }
0xa3: {  	v4 =	vld [tilespmem:s6+$0x16F90];
	_ =	sdelay $0x4  }
0xa4: {  	vm0 =	vlt.s32 v4, $0x1400;
	v5 =	vadd.s32 $0x40, v4;
	v4 =	vadd.s32 $0xFFFFEC40, v4  }
0xa5: {  	v5 =	vsel vm0, v5, v1;
	v4 =	vsel vm0, v1, v4  }
0xa6: {  	v5 =	vmul.u32 s7, v5;
	v4 =	vmul.u32 s7, v4;
	_ =	sdelay $0x1  }
0xa7: {  	[tilespmem:$0x19790] =	vst v5  }
0xa8: {  	[tilespmem:$0x19890] =	vst v4  }
0xa9: {  	v4 =	vld [tilespmem:s6+$0x16FA0];
	_ =	sdelay $0x4  }
0xaa: {  	vm0 =	vlt.s32 v4, $0x1400;
	v5 =	vadd.s32 $0x40, v4;
	v4 =	vadd.s32 $0xFFFFEC40, v4  }
0xab: {  	v5 =	vsel vm0, v5, v2;
	v4 =	vsel vm0, v2, v4  }
0xac: {  	v5 =	vmul.u32 s7, v5;
	v4 =	vmul.u32 s7, v4;
	_ =	sdelay $0x1  }
0xad: {  	[tilespmem:$0x197A0] =	vst v5  }
0xae: {  	[tilespmem:$0x198A0] =	vst v4  }
0xaf: {  	v4 =	vld [tilespmem:s6+$0x16FB0];
	_ =	sdelay $0x4  }
0xb0: {  	vm0 =	vlt.s32 v4, $0x1400;
	v5 =	vadd.s32 $0x40, v4;
	v4 =	vadd.s32 $0xFFFFEC40, v4  }
0xb1: {  	v5 =	vsel vm0, v5, v3;
	v4 =	vsel vm0, v3, v4  }
0xb2: {  	v5 =	vmul.u32 s7, v5;
	v4 =	vmul.u32 s7, v4;
	_ =	sdelay $0x1  }
0xb3: {  	[tilespmem:$0x197B0] =	vst v5  }
0xb4: {  	[tilespmem:$0x198B0] =	vst v4  }
0xb5: {  	v4 =	vld [tilespmem:s6+$0x16FC0];
	_ =	sdelay $0x4  }
0xb6: {  	vm0 =	vlt.s32 v4, $0x1400;
	v5 =	vadd.s32 $0x40, v4;
	v4 =	vadd.s32 $0xFFFFEC40, v4  }
0xb7: {  	v5 =	vsel vm0, v5, v0;
	v4 =	vsel vm0, v0, v4  }
0xb8: {  	v5 =	vmul.u32 s7, v5;
	v4 =	vmul.u32 s7, v4;
	_ =	sdelay $0x1  }
0xb9: {  	[tilespmem:$0x197C0] =	vst v5  }
0xba: {  	[tilespmem:$0x198C0] =	vst v4  }
0xbb: {  	_ =	swait.ge [sflag:s22], $0x2800  }
0xbc: {  	[sflag:s22] =	ssyncset.done $0x0  }
0xbd: {  	s5 =	sadd.s32 $0xFFFFFFFF, s5;
	[sflag:s22] =	ssyncadd.s32 $0xFFFFD800  }
0xbe: {  	[spmem:s3] =	stream.indirect.scatter.add.f32 [tilespmem:s19], [sflag:$0x3], $0x80, s23, s18, $0xb8;
	[tilespmem:$0x1E900] =	vst v63  }
0xbf: {  	s6 =	smin.u32 s5, $0x7A;
	s5 =	smin.u32 s5, $0x79  }
0xc0: {  	[spmem:s4] =	stream.indirect.scatter.add.f32 [tilespmem:s19], [sflag:$0x3], $0x80, s26, s18, $0xb8;
	[tilespmem:$0x1E900] =	vst v63  }
0xc1: {  	s5 =	smul.u32 $0x140, s5;
	_ =	swait.ge [sflag:s28], $0x2800  }
0xc2: {  	s6 =	smul.u32 $0x140, s6;
	[sflag:s28] =	ssyncset.done $0x0  }
0xc3: {  	s5 =	sshrl.u32 s5, $0x2;
	[sflag:s28] =	ssyncadd.s32 $0xFFFFD800  }
0xc4: {  	[spmem:s3] =	stream.indirect.scatter.add.f32 [tilespmem:s21], [sflag:$0x4], $0x80, s29, s18, $0xb8;
	[tilespmem:$0x1E900] =	vst v63  }
.Ltmp0:
0xc5: {  	s7 =	sshrl.u32 s6, $0x2;
	(pc) =	sbr.rel @p0 .LBB2_2-.Ltmp0, $4  }
0xc6: {  	[spmem:s4] =	stream.indirect.scatter.add.f32 [tilespmem:s21], [sflag:$0x4], $0x80, s30, s18, $0xb8;
	[tilespmem:$0x1E900] =	vst v63  }
0xc7: {  	_ =	swait.ge [sflag:s31], $0x2800  }
0xc8: {  	[sflag:s31] =	ssyncset.done $0x0  }
0xc9: {  	s6 =	sadd.s32 $0x148F0, s5;
	[sflag:s31] =	ssyncadd.s32 $0xFFFFD800  }
0xca: {  	_ =	swait.ge [sflag:s31], $0x2800  }
0xcb: {  	[sflag:s31] =	ssyncset.done $0x0  }
0xcc: {  	s5 =	sadd.s32 $0x148A0, s7;
	[sflag:s31] =	ssyncadd.s32 $0xFFFFD800  }
0xcd: {  	[tilespmem:s19], [sflag:$0x1] =	stream.indirect.gather [hbm4b:s1+s18], $0x80, s5, s18, $0xb8;
	[tilespmem:$0x1E900] =	vst v63  }
0xce: {  	_ =	swait.ge [sflag:s2], $0x2800  }
0xcf: {  	[sflag:s2] =	ssyncset.done $0x0  }
0xd0: {  	[sflag:s2] =	ssyncadd.s32 $0xFFFFD800  }
0xd1: {  	_ =	swait.ge [sflag:s2], $0x2800  }
0xd2: {  	[sflag:s2] =	ssyncset.done $0x0  }
0xd3: {  	[sflag:s2] =	ssyncadd.s32 $0xFFFFD800  }
0xd4: {  	[tilespmem:s21], [sflag:$0x2] =	stream.indirect.gather [hbm4b:s1+s18], $0x80, s6, s18, $0xb8;
	[tilespmem:$0x1E900] =	vst v63  }
0xd5: {  	_ =	swait.ge [sflag:s22], $0x2800  }
0xd6: {  	[sflag:s22] =	ssyncset.done $0x0  }
0xd7: {  	[sflag:s22] =	ssyncadd.s32 $0xFFFFD800  }
0xd8: {  	_ =	swait.ge [sflag:s28], $0x2800  }
0xd9: {  	[sflag:s28] =	ssyncset.done $0x0  }
0xda: {  	[sflag:s28] =	ssyncadd.s32 $0xFFFFD800  }
0xdb: {  	[bflag:$0x0] =	sbarrier.arrive $0xFFFF  }
0xdc: {  	[hbm:s9], [sflag:s15] =	dma.local [spmem:s24], $0x1400  }
0xdd: {  	s0 =	sadd.s32 $0x1, s0;
	_ =	swait.ge [sflag:s13], $0x1400  }
0xde: {  	p0 =	sne.s32 s0, s11;
	[sflag:s13] =	ssyncset.done $0x0  }
.Ltmp1:
0xdf: {  	[sflag:s13] =	ssyncadd.s32 $0xFFFFEC00;
	(pc) =	sbr.rel @p0 .LBB2_1-.Ltmp1, $4  }
0xe0: {  	[hbm:s10], [sflag:s15] =	dma.local [spmem:s25], $0x1400  }
0xe1: {  	_ =	swait.ge [sflag:s13], $0x1400  }
0xe2: {  	[sflag:s13] =	ssyncset.done $0x0  }
0xe3: {  	[sflag:s13] =	ssyncadd.s32 $0xFFFFEC00  }
0xe4: {  	_ =	sfence.sel $0x180000  }
0xe5: {  	[bflag:$0x0] =	sbarrier.arrive $0xFFFF  }
0xe6: {  	_ =	strace $0x90000047  }
0xe7: {  	s0 =	stileid.u32;
	[bflag:$0x2] =	sbarrier.arrive $0xFFFF  }
0xe8: {  	p0 =	sne.s32 s0, $0x0;
	s0 =	rddreg [dreg:$0x5]  }
0xe9: {  	s0 =	sadd.s32 @!p0 $0x100000, s0  }
0xea: {  	[sflag:s0] =	ssyncadd.tile.s32 @!p0 $0x1;
	_ =	shalt  }
.Lfunc_end2:
_tile_overlayer_lowered:
.L_overlay_start_2:
0xeb: {  	(tag) =	ssettag $0x2  }
0xec: {  	s0 =	rddreg [dreg:$0x0];
	s2 =	stileid.u32  }
0xed: {  	s1 =	rddreg [dreg:$0x1];
	p0 =	sne.s32 s2, $0x0  }
0xee: {  	s3 =	rddreg [dreg:$0x2];
	[bflag:$0x3] =	sbarrier.arrive $0xFFFF;
	s2 =	simm.s32 @!p0 $0x1C05  }
0xef: {  	[timem:s3], [sflag:s2] =	dma.local @!p0 [hbm:s0], s1  }
0xf0: {  	s0 =	simm.s32 @!p0 $0x5  }
0xf1: {  	_ =	swait.ge @!p0 [sflag:s0], s1  }
0xf2: {  	s1 =	ssub.s32 @!p0 $0x0, s1;
	[sflag:s0] =	ssyncset.done @!p0 $0x0  }
0xf3: {  	[sflag:s0] =	ssyncadd.s32 @!p0 s1  }
0xf4: {  	[bflag:$0x3] =	sbarrier.arrive $0xFFFF  }
0xf5: {  	_ =	shalt  }

</sc_bundles>
